<compile_context>
chip_gen: v7x
topology: tpu7x:2x2x1
jax: 0.10.2.dev20260603
libtpu: 0.0.44.dev20260713+nightly
codegen_flags: <defaults>
</compile_context>

<pallas_src>
import jax
import jax.numpy as jnp
from jax import lax
from jax.experimental import pallas as pl
from jax.experimental.pallas import tpu as pltpu
from jax.experimental.pallas import tpu_sc as plsc

N = 10000
E = 320000
D = 128
H = 128
OUT = 10
G = 64

NC = 2
NS = 16
NW = NC * NS
EW = E // NW
K = 125
C = EW // K
P = 2
CP = C // P
STRIPE = 1000
NDRAIN = N // STRIPE

def _mesh():
    return plsc.VectorSubcoreMesh(core_axis_name="c", subcore_axis_name="s",
                                  num_cores=NC, num_subcores=NS)



RPT = (E // NW) // 128 + 1
HR = N // 128 + 3


def _deg_body(dst_hbm, idx_hbm, zeros_hbm, out_hbm, dstv, hist, idxv, acc):
    cid = lax.axis_index("c")
    sid = lax.axis_index("s")
    wid = cid * NS + sid
    pltpu.sync_copy(zeros_hbm, hist)

    @pl.when(sid == 0)
    def _():
        pltpu.sync_copy(zeros_hbm, acc)

    pltpu.sync_copy(idx_hbm, idxv)
    pltpu.sync_copy(dst_hbm.at[wid], dstv)

    def step(r, carry):
        for k in range(8):
            v = dstv[r, pl.ds(16 * k, 16)]
            row = lax.shift_right_logical(v, 7)
            col = lax.bitwise_and(v, 127)
            plsc.addupdate_scatter(hist, [row, col],
                                   jnp.ones((16,), jnp.float32))
        return carry

    lax.fori_loop(0, RPT, step, 0)
    plsc.subcore_barrier()
    pltpu.sync_copy(hist, acc.at[idxv.at[0]], add=True)
    plsc.subcore_barrier()

    @pl.when(sid == 0)
    def _():
        pltpu.sync_copy(acc, out_hbm.at[cid])


def _build_deg_kernel():
    return pl.kernel(
        _deg_body,
        out_type=jax.ShapeDtypeStruct((NC, HR, 128), jnp.float32),
        mesh=_mesh(),
        compiler_params=pltpu.CompilerParams(needs_layout_passes=False),
        scratch_types=[
            pltpu.VMEM((RPT, 128), jnp.int32),
            pltpu.VMEM((HR, 128), jnp.float32),
            pltpu.VMEM((1, HR), jnp.int32),
            pltpu.VMEM_SHARED((HR, 128), jnp.float32),
        ],
    )


def _scatter_body(hn_hbm, src_hbm, dst_hbm, zeros_hbm, out_hbm,
                  srcv, dstv, rows0, rows1, acc, sem0, sem1):
    cid = lax.axis_index("c")
    sid = lax.axis_index("s")
    wid = cid * NS + sid

    @pl.when((sid < NDRAIN) & (cid == 0))
    def _():
        pltpu.sync_copy(hn_hbm.at[pl.ds(sid * STRIPE, STRIPE)],
                        acc.at[pl.ds(sid * STRIPE, STRIPE)])

    @pl.when((sid < NDRAIN) & (cid == 1))
    def _():
        pltpu.sync_copy(zeros_hbm, acc.at[pl.ds(sid * STRIPE, STRIPE)])

    for p in range(P):
        pltpu.sync_copy(src_hbm.at[wid, pl.ds(p * CP, CP)], srcv)
        pltpu.sync_copy(dst_hbm.at[wid, pl.ds(p * CP, CP)], dstv)
        pltpu.async_copy(hn_hbm.at[srcv.at[0]], rows0, sem0)
        if p == 0:
            plsc.subcore_barrier()

        def step(i, carry):
            j0 = 2 * i
            j1 = 2 * i + 1
            pltpu.async_copy(hn_hbm.at[srcv.at[j1]], rows1, sem1)
            pltpu.make_async_copy(hn_hbm.at[srcv.at[j0]], rows0, sem0).wait()
            pltpu.sync_copy(rows0, acc.at[dstv.at[j0]], add=True)

            @pl.when(i + 1 < CP // 2)
            def _():
                pltpu.async_copy(hn_hbm.at[srcv.at[j0 + 2]], rows0, sem0)

            pltpu.make_async_copy(hn_hbm.at[srcv.at[j1]], rows1, sem1).wait()
            pltpu.sync_copy(rows1, acc.at[dstv.at[j1]], add=True)
            return carry

        lax.fori_loop(0, CP // 2, step, 0)

    plsc.subcore_barrier()

    @pl.when(sid < NDRAIN)
    def _():
        pltpu.sync_copy(acc.at[pl.ds(sid * STRIPE, STRIPE)],
                        out_hbm.at[cid, pl.ds(sid * STRIPE, STRIPE)])


def _build_scatter_kernel():
    return pl.kernel(
        _scatter_body,
        out_type=jax.ShapeDtypeStruct((NC, N, H), jnp.float32),
        mesh=_mesh(),
        scratch_types=[
            pltpu.VMEM((CP, K), jnp.int32),
            pltpu.VMEM((CP, K), jnp.int32),
            pltpu.VMEM((K, H), jnp.float32),
            pltpu.VMEM((K, H), jnp.float32),
            pltpu.VMEM_SHARED((N, H), jnp.float32),
            pltpu.SemaphoreType.DMA,
            pltpu.SemaphoreType.DMA,
        ],
    )



_BR = 2000
_NB = N // _BR


def _tc1_body(x_ref, w1_ref, p0_ref, p1_ref, hn_ref, dinv_ref):
    deg = p0_ref[...] + p1_ref[...] + 1.0
    dinv = lax.rsqrt(deg)
    y = lax.dot_general(x_ref[...], w1_ref[...],
                        (((1,), (1,)), ((), ())),
                        preferred_element_type=jnp.float32)
    hn_ref[...] = y * dinv
    dinv_ref[...] = dinv


def _tc2_body(s0_ref, s1_ref, dinv_ref, b1_ref, w2_ref, out_ref):
    dinv = dinv_ref[...]
    h1 = dinv * (s0_ref[...] + s1_ref[...]) + b1_ref[...]
    h1 = jnp.maximum(h1, 0.0)
    y = lax.dot_general(h1, w2_ref[...],
                        (((1,), (1,)), ((), ())),
                        preferred_element_type=jnp.float32)
    out_ref[...] = y * dinv


def _tc3_body(s0_ref, s1_ref, dinv_ref, b2_ref, batch_ref,
              wc1_ref, bc1_ref, wc2_ref, bc2_ref, out_ref):
    h2 = dinv_ref[...] * (s0_ref[...] + s1_ref[...]) + b2_ref[...]
    h2 = jnp.maximum(h2, 0.0)
    gids = lax.broadcasted_iota(jnp.int32, (G, N), 0)
    m = (gids == batch_ref[...]).astype(jnp.float32)
    sums = lax.dot_general(m, h2, (((1,), (0,)), ((), ())),
                           preferred_element_type=jnp.float32)
    counts = jnp.sum(m, axis=1, keepdims=True)
    pooled = sums / jnp.maximum(counts, 1.0)
    z = lax.dot_general(pooled, wc1_ref[...], (((1,), (1,)), ((), ())),
                        preferred_element_type=jnp.float32) + bc1_ref[...]
    z = jnp.maximum(z, 0.0)
    out_ref[...] = lax.dot_general(z, wc2_ref[...], (((1,), (1,)), ((), ())),
                                   preferred_element_type=jnp.float32) + bc2_ref[...]


def _rows_spec(w):
    return pl.BlockSpec((_BR, w), lambda i: (i, 0))


def _full_spec(shape):
    return pl.BlockSpec(shape, lambda i: (0,) * len(shape))


_tc1 = pl.pallas_call(
    _tc1_body,
    grid=(_NB,),
    in_specs=[_rows_spec(D), _full_spec((H, D)), _rows_spec(1), _rows_spec(1)],
    out_specs=[_rows_spec(H), _rows_spec(1)],
    out_shape=[jax.ShapeDtypeStruct((N, H), jnp.float32),
               jax.ShapeDtypeStruct((N, 1), jnp.float32)],
)

_tc2 = pl.pallas_call(
    _tc2_body,
    grid=(_NB,),
    in_specs=[_rows_spec(H), _rows_spec(H), _rows_spec(1),
              _full_spec((1, H)), _full_spec((H, H))],
    out_specs=_rows_spec(H),
    out_shape=jax.ShapeDtypeStruct((N, H), jnp.float32),
)

_tc3 = pl.pallas_call(
    _tc3_body,
    out_shape=jax.ShapeDtypeStruct((G, OUT), jnp.float32),
)


def kernel(x, edge_index, batch, W1, b1, W2, b2, Wc1, bc1, Wc2, bc2):
    src3 = edge_index[0].reshape(NW, C, K)
    dst3 = edge_index[1].reshape(NW, C, K)
    zerosH = jnp.zeros((STRIPE, H), jnp.float32)

    pad = jnp.full((NW * RPT * 128 - E,), N, jnp.int32)
    dstp = jnp.concatenate([edge_index[1], pad]).reshape(NW, RPT, 128)
    idx_hr = jnp.arange(HR, dtype=jnp.int32).reshape(1, HR)
    zeros_hr = jnp.zeros((HR, 128), jnp.float32)

    dd = _build_deg_kernel()(dstp, idx_hr, zeros_hr)
    _scatter_kernel = _build_scatter_kernel()
    p0 = dd[0].reshape(-1)[:N, None]
    p1 = dd[1].reshape(-1)[:N, None]

    hn1, dinv = _tc1(x, W1, p0, p1)

    s1 = _scatter_kernel(hn1, src3, dst3, zerosH)
    hn2 = _tc2(s1[0], s1[1], dinv, b1.reshape(1, H), W2)

    s2 = _scatter_kernel(hn2, src3, dst3, zerosH)
    out = _tc3(s2[0], s2[1], dinv, b2.reshape(1, H),
               batch.reshape(1, N), Wc1, bc1.reshape(1, H // 2),
               Wc2, bc2.reshape(1, OUT))
    return out

# --- scband reference (transcript-rebuilt; emitter-appended) ---
"""Pipeline reference for scband-gnnclassifier-22067541967321 (READ-ONLY COPY).

The authoritative reference and input builder live on the scoring server;
editing this copy changes nothing except your own understanding.
"""

import jax, jax.numpy as jnp
import numpy as np

N = 10000
E = 320000
D = 128
H = 128
OUT = 10
G = 64


def setup_inputs(seed: int = 0) -> dict:
    key = jax.random.key(seed)
    ks = jax.random.split(key, 12)
    x = jax.random.normal(ks[0], (N, D), dtype=jnp.float32)
    edge_index = jax.random.randint(ks[1], (2, E), 0, N, dtype=jnp.int32)
    batch = jnp.sort(jax.random.randint(ks[2], (N,), 0, G, dtype=jnp.int32))
    W1 = jax.random.normal(ks[3], (H, D), dtype=jnp.float32) * (1.0 / np.sqrt(D))
    b1 = jnp.zeros((H,), dtype=jnp.float32)
    W2 = jax.random.normal(ks[4], (H, H), dtype=jnp.float32) * (1.0 / np.sqrt(H))
    b2 = jnp.zeros((H,), dtype=jnp.float32)
    Wc1 = jax.random.normal(ks[5], (H // 2, H), dtype=jnp.float32) * (1.0 / np.sqrt(H))
    bc1 = jnp.zeros((H // 2,), dtype=jnp.float32)
    Wc2 = jax.random.normal(ks[6], (OUT, H // 2), dtype=jnp.float32) * (1.0 / np.sqrt(H // 2))
    bc2 = jnp.zeros((OUT,), dtype=jnp.float32)
    return {"x": x, "edge_index": edge_index, "batch": batch,
            "W1": W1, "b1": b1, "W2": W2, "b2": b2,
            "Wc1": Wc1, "bc1": bc1, "Wc2": Wc2, "bc2": bc2}


def gcn_conv(h, edge_index, W, b, num_nodes):
    # PyG GCNConv: linear transform, add self loops, symmetric normalization, scatter-add aggregate, bias
    h = h @ W.T
    loop = jnp.arange(num_nodes, dtype=edge_index.dtype)
    src = jnp.concatenate([edge_index[0], loop])
    dst = jnp.concatenate([edge_index[1], loop])
    deg = jnp.zeros((num_nodes,), dtype=h.dtype).at[dst].add(1.0)
    dinv = jnp.where(deg > 0, 1.0 / jnp.sqrt(deg), 0.0)
    norm = dinv[src] * dinv[dst]
    msgs = h[src] * norm[:, None]
    out = jnp.zeros_like(h).at[dst].add(msgs)
    return out + b


def reference(x, edge_index, batch, W1, b1, W2, b2, Wc1, bc1, Wc2, bc2):
    num_nodes = x.shape[0]
    # layer 1
    h = gcn_conv(x, edge_index, W1, b1, num_nodes)
    h = jax.nn.relu(h)
    # dropout is inactive at eval time
    # layer 2
    h = gcn_conv(h, edge_index, W2, b2, num_nodes)
    h = jax.nn.relu(h)
    # global mean pool over graphs
    sums = jax.ops.segment_sum(h, batch, num_segments=G)
    counts = jax.ops.segment_sum(jnp.ones((num_nodes, 1), dtype=h.dtype), batch, num_segments=G)
    pooled = sums / jnp.maximum(counts, 1.0)
    # MLP classifier [H, H//2, OUT]
    z = jax.nn.relu(pooled @ Wc1.T + bc1)
    out = z @ Wc2.T + bc2
    return out

if __name__ == "__main__":
    import jax
    _d = setup_inputs()
    print(jax.jit(kernel)(*tuple(_d.values())))

</pallas_src>

<mosaic_0001>
#map = affine_map<(d0, d1) -> (0, 0)>
#map1 = affine_map<(d0, d1) -> (0, 0, 0)>
module attributes {stable_mosaic.version = 14 : i64} {
  func.func @_scatter_body(%arg0: i32, %arg1: i32, %arg2: memref<10000x128xf32, #tpu.memory_space<hbm>>, %arg3: memref<32x80x125xi32, #tpu.memory_space<hbm>>, %arg4: memref<32x80x125xi32, #tpu.memory_space<hbm>>, %arg5: memref<1000x128xf32, #tpu.memory_space<hbm>>, %arg6: memref<2x10000x128xf32, #tpu.memory_space<hbm>>, %arg7: memref<40x125xi32, #tpu.memory_space<vmem>>, %arg8: memref<40x125xi32, #tpu.memory_space<vmem>>, %arg9: memref<125x128xf32, #tpu.memory_space<vmem>>, %arg10: memref<125x128xf32, #tpu.memory_space<vmem>>, %arg11: memref<10000x128xf32, #tpu.memory_space<vmem_shared>>, %arg12: memref<!tpu.dma_semaphore, #tpu.memory_space<semaphore_mem>>, %arg13: memref<!tpu.dma_semaphore, #tpu.memory_space<semaphore_mem>>) attributes {dimension_semantics = [#tpu.dimension_semantics<core_parallel>, #tpu.dimension_semantics<subcore_parallel>], iteration_bounds = array<i64: 2, 16>, scalar_prefetch = 0 : i64, scratch_operands = 7 : i64, tpu.core_type = #tpu.core_type<sc_vector_subcore>, window_params = [{transform_indices = #map}, {transform_indices = #map1}, {transform_indices = #map1}, {transform_indices = #map}, {transform_indices = #map1}]} {
    %mul3A = arith.constant 16 : i32
    %mul3A_0 = arith.muli %arg0, %mul3A : i32
    %add3A = arith.addi %mul3A_0, %arg1 : i32
    %lt3A = arith.constant 10 : i32
    %lt3A_1 = arith.cmpi slt, %arg1, %lt3A : i32
    %eq3A = arith.constant 0 : i32
    %eq3A_2 = arith.cmpi eq, %arg0, %eq3A : i32
    %and3A = arith.andi %lt3A_1, %eq3A_2 : i1
    %convert_element_type3A = arith.extui %and3A : i1 to i32
    %cond3A = arith.constant 0 : i32
    %cond3A_3 = arith.cmpi ne, %convert_element_type3A, %cond3A : i32
    scf.if %cond3A_3 {
      %mul3A_42 = arith.constant 1000 : i32
      %mul3A_43 = arith.muli %arg1, %mul3A_42 : i32
      %mul3A_44 = arith.constant 1000 : i32
      %mul3A_45 = arith.muli %arg1, %mul3A_44 : i32
      "tpu.region"() ({
        %run_scoped3A = tpu.sem_alloc : memref<!tpu.dma_semaphore, #tpu.memory_space<semaphore_mem>>
        %dma_start3A_46 = arith.constant 0 : i32
        %dma_start3A_47 = tpu.memref_slice %arg11[%mul3A_45, %dma_start3A_46] : memref<10000x128xf32, #tpu.memory_space<vmem_shared>> -> memref<1000x128xf32, #tpu.memory_space<vmem_shared>>
        %dma_start3A_48 = arith.constant 0 : i32
        %dma_start3A_49 = tpu.memref_slice %arg2[%mul3A_43, %dma_start3A_48] : memref<10000x128xf32, #tpu.memory_space<hbm>> -> memref<1000x128xf32, #tpu.memory_space<hbm>>
        tpu.enqueue_dma source(%dma_start3A_49 : memref<1000x128xf32, #tpu.memory_space<hbm>>) target(%dma_start3A_47 : memref<1000x128xf32, #tpu.memory_space<vmem_shared>>) target_semaphore(%run_scoped3A : memref<!tpu.dma_semaphore, #tpu.memory_space<semaphore_mem>>)
        %dma_wait3A = arith.constant 0 : i32
        %dma_wait3A_50 = tpu.memref_slice %arg11[%mul3A_45, %dma_wait3A] : memref<10000x128xf32, #tpu.memory_space<vmem_shared>> -> memref<1000x128xf32, #tpu.memory_space<vmem_shared>>
        %dma_wait3A_51 = arith.constant 0 : i32
        %dma_wait3A_52 = tpu.memref_slice %arg2[%mul3A_43, %dma_wait3A_51] : memref<10000x128xf32, #tpu.memory_space<hbm>> -> memref<1000x128xf32, #tpu.memory_space<hbm>>
        tpu.wait_dma2 semaphore(%run_scoped3A : memref<!tpu.dma_semaphore, #tpu.memory_space<semaphore_mem>>) src(%dma_wait3A_52 : memref<1000x128xf32, #tpu.memory_space<hbm>>) dst(%dma_wait3A_50 : memref<1000x128xf32, #tpu.memory_space<vmem_shared>>)
        tpu.yield
      }) : () -> ()
    } else {
    }
    %lt3A_4 = arith.constant 10 : i32
    %lt3A_5 = arith.cmpi slt, %arg1, %lt3A_4 : i32
    %eq3A_6 = arith.constant 1 : i32
    %eq3A_7 = arith.cmpi eq, %arg0, %eq3A_6 : i32
    %and3A_8 = arith.andi %lt3A_5, %eq3A_7 : i1
    %convert_element_type3A_9 = arith.extui %and3A_8 : i1 to i32
    %cond3A_10 = arith.constant 0 : i32
    %cond3A_11 = arith.cmpi ne, %convert_element_type3A_9, %cond3A_10 : i32
    scf.if %cond3A_11 {
      %mul3A_42 = arith.constant 1000 : i32
      %mul3A_43 = arith.muli %arg1, %mul3A_42 : i32
      "tpu.region"() ({
        %run_scoped3A = tpu.sem_alloc : memref<!tpu.dma_semaphore, #tpu.memory_space<semaphore_mem>>
        %dma_start3A_44 = arith.constant 0 : i32
        %dma_start3A_45 = tpu.memref_slice %arg11[%mul3A_43, %dma_start3A_44] : memref<10000x128xf32, #tpu.memory_space<vmem_shared>> -> memref<1000x128xf32, #tpu.memory_space<vmem_shared>>
        tpu.enqueue_dma source(%arg5 : memref<1000x128xf32, #tpu.memory_space<hbm>>) target(%dma_start3A_45 : memref<1000x128xf32, #tpu.memory_space<vmem_shared>>) target_semaphore(%run_scoped3A : memref<!tpu.dma_semaphore, #tpu.memory_space<semaphore_mem>>)
        %dma_wait3A = arith.constant 0 : i32
        %dma_wait3A_46 = tpu.memref_slice %arg11[%mul3A_43, %dma_wait3A] : memref<10000x128xf32, #tpu.memory_space<vmem_shared>> -> memref<1000x128xf32, #tpu.memory_space<vmem_shared>>
        tpu.wait_dma2 semaphore(%run_scoped3A : memref<!tpu.dma_semaphore, #tpu.memory_space<semaphore_mem>>) src(%arg5 : memref<1000x128xf32, #tpu.memory_space<hbm>>) dst(%dma_wait3A_46 : memref<1000x128xf32, #tpu.memory_space<vmem_shared>>)
        tpu.yield
      }) : () -> ()
    } else {
    }
    "tpu.region"() ({
      %run_scoped3A = tpu.sem_alloc : memref<!tpu.dma_semaphore, #tpu.memory_space<semaphore_mem>>
      %dma_start3A_42 = arith.constant 0 : i32
      %dma_start3A_43 = arith.constant 0 : i32
      %dma_start3A_44 = tpu.memref_slice %arg3[%add3A, %dma_start3A_42, %dma_start3A_43] : memref<32x80x125xi32, #tpu.memory_space<hbm>> -> memref<1x40x125xi32, #tpu.memory_space<hbm>>
      %dma_start3A_45 = tpu.memref_squeeze %dma_start3A_44 : memref<1x40x125xi32, #tpu.memory_space<hbm>> -> memref<40x125xi32, #tpu.memory_space<hbm>>
      %dma_start3A_46 = arith.constant 0 : i32
      %dma_start3A_47 = arith.constant 0 : i32
      %dma_start3A_48 = tpu.memref_slice %arg3[%add3A, %dma_start3A_46, %dma_start3A_47] : memref<32x80x125xi32, #tpu.memory_space<hbm>> -> memref<1x40x125xi32, #tpu.memory_space<hbm>>
      %dma_start3A_49 = tpu.memref_squeeze %dma_start3A_48 : memref<1x40x125xi32, #tpu.memory_space<hbm>> -> memref<40x125xi32, #tpu.memory_space<hbm>>
      tpu.enqueue_dma source(%dma_start3A_49 : memref<40x125xi32, #tpu.memory_space<hbm>>) target(%arg7 : memref<40x125xi32, #tpu.memory_space<vmem>>) target_semaphore(%run_scoped3A : memref<!tpu.dma_semaphore, #tpu.memory_space<semaphore_mem>>)
      %dma_wait3A = arith.constant 0 : i32
      %dma_wait3A_50 = arith.constant 0 : i32
      %dma_wait3A_51 = tpu.memref_slice %arg3[%add3A, %dma_wait3A, %dma_wait3A_50] : memref<32x80x125xi32, #tpu.memory_space<hbm>> -> memref<1x40x125xi32, #tpu.memory_space<hbm>>
      %dma_wait3A_52 = tpu.memref_squeeze %dma_wait3A_51 : memref<1x40x125xi32, #tpu.memory_space<hbm>> -> memref<40x125xi32, #tpu.memory_space<hbm>>
      %dma_wait3A_53 = arith.constant 0 : i32
      %dma_wait3A_54 = arith.constant 0 : i32
      %dma_wait3A_55 = tpu.memref_slice %arg3[%add3A, %dma_wait3A_53, %dma_wait3A_54] : memref<32x80x125xi32, #tpu.memory_space<hbm>> -> memref<1x40x125xi32, #tpu.memory_space<hbm>>
      %dma_wait3A_56 = tpu.memref_squeeze %dma_wait3A_55 : memref<1x40x125xi32, #tpu.memory_space<hbm>> -> memref<40x125xi32, #tpu.memory_space<hbm>>
      tpu.wait_dma2 semaphore(%run_scoped3A : memref<!tpu.dma_semaphore, #tpu.memory_space<semaphore_mem>>) src(%dma_wait3A_56 : memref<40x125xi32, #tpu.memory_space<hbm>>) dst(%arg7 : memref<40x125xi32, #tpu.memory_space<vmem>>)
      tpu.yield
    }) : () -> ()
    "tpu.region"() ({
      %run_scoped3A = tpu.sem_alloc : memref<!tpu.dma_semaphore, #tpu.memory_space<semaphore_mem>>
      %dma_start3A_42 = arith.constant 0 : i32
      %dma_start3A_43 = arith.constant 0 : i32
      %dma_start3A_44 = tpu.memref_slice %arg4[%add3A, %dma_start3A_42, %dma_start3A_43] : memref<32x80x125xi32, #tpu.memory_space<hbm>> -> memref<1x40x125xi32, #tpu.memory_space<hbm>>
      %dma_start3A_45 = tpu.memref_squeeze %dma_start3A_44 : memref<1x40x125xi32, #tpu.memory_space<hbm>> -> memref<40x125xi32, #tpu.memory_space<hbm>>
      %dma_start3A_46 = arith.constant 0 : i32
      %dma_start3A_47 = arith.constant 0 : i32
      %dma_start3A_48 = tpu.memref_slice %arg4[%add3A, %dma_start3A_46, %dma_start3A_47] : memref<32x80x125xi32, #tpu.memory_space<hbm>> -> memref<1x40x125xi32, #tpu.memory_space<hbm>>
      %dma_start3A_49 = tpu.memref_squeeze %dma_start3A_48 : memref<1x40x125xi32, #tpu.memory_space<hbm>> -> memref<40x125xi32, #tpu.memory_space<hbm>>
      tpu.enqueue_dma source(%dma_start3A_49 : memref<40x125xi32, #tpu.memory_space<hbm>>) target(%arg8 : memref<40x125xi32, #tpu.memory_space<vmem>>) target_semaphore(%run_scoped3A : memref<!tpu.dma_semaphore, #tpu.memory_space<semaphore_mem>>)
      %dma_wait3A = arith.constant 0 : i32
      %dma_wait3A_50 = arith.constant 0 : i32
      %dma_wait3A_51 = tpu.memref_slice %arg4[%add3A, %dma_wait3A, %dma_wait3A_50] : memref<32x80x125xi32, #tpu.memory_space<hbm>> -> memref<1x40x125xi32, #tpu.memory_space<hbm>>
      %dma_wait3A_52 = tpu.memref_squeeze %dma_wait3A_51 : memref<1x40x125xi32, #tpu.memory_space<hbm>> -> memref<40x125xi32, #tpu.memory_space<hbm>>
      %dma_wait3A_53 = arith.constant 0 : i32
      %dma_wait3A_54 = arith.constant 0 : i32
      %dma_wait3A_55 = tpu.memref_slice %arg4[%add3A, %dma_wait3A_53, %dma_wait3A_54] : memref<32x80x125xi32, #tpu.memory_space<hbm>> -> memref<1x40x125xi32, #tpu.memory_space<hbm>>
      %dma_wait3A_56 = tpu.memref_squeeze %dma_wait3A_55 : memref<1x40x125xi32, #tpu.memory_space<hbm>> -> memref<40x125xi32, #tpu.memory_space<hbm>>
      tpu.wait_dma2 semaphore(%run_scoped3A : memref<!tpu.dma_semaphore, #tpu.memory_space<semaphore_mem>>) src(%dma_wait3A_56 : memref<40x125xi32, #tpu.memory_space<hbm>>) dst(%arg8 : memref<40x125xi32, #tpu.memory_space<vmem>>)
      tpu.yield
    }) : () -> ()
    %dma_start3A = arith.constant 0 : i32
    %dma_start3A_12 = arith.constant 0 : i32
    %dma_start3A_13 = tpu.memref_slice %arg7[%dma_start3A, %dma_start3A_12] : memref<40x125xi32, #tpu.memory_space<vmem>> -> memref<1x125xi32, #tpu.memory_space<vmem>>
    %dma_start3A_14 = tpu.memref_squeeze %dma_start3A_13 : memref<1x125xi32, #tpu.memory_space<vmem>> -> memref<125xi32, #tpu.memory_space<vmem>>
    %dma_start3A_15 = arith.constant 0 : i32
    %dma_start3A_16 = arith.constant 0 : i32
    %dma_start3A_17 = tpu.memref_slice %arg2[%dma_start3A_15, %dma_start3A_16] : memref<10000x128xf32, #tpu.memory_space<hbm>> -> memref<10000x128xf32, #tpu.memory_space<hbm>>
    tpu.enqueue_indirect_dma source(%dma_start3A_17 : memref<10000x128xf32, #tpu.memory_space<hbm>>) target(%arg9 : memref<125x128xf32, #tpu.memory_space<vmem>>) offsets(%dma_start3A_14 : memref<125xi32, #tpu.memory_space<vmem>>) semaphore(%arg12 : memref<!tpu.dma_semaphore, #tpu.memory_space<semaphore_mem>>)
    %barrier3A = arith.constant 0 : index
    tpu.barrier barrier_id(%barrier3A)
    %scan3A = arith.constant 0 : i32
    %scan3A_18 = arith.constant 0 : i32
    %scan3A_19 = arith.constant 20 : i32
    %scan3A_20 = arith.addi %scan3A_18, %scan3A_19 : i32
    %scan3A_21 = arith.constant 1 : i32
    scf.for %scan3A_42 = %scan3A_18 to %scan3A_20 step %scan3A_21  : i32 {
      %mul3A_43 = arith.constant 2 : i32
      %mul3A_44 = arith.muli %mul3A_43, %scan3A_42 : i32
      %mul3A_45 = arith.constant 2 : i32
      %mul3A_46 = arith.muli %mul3A_45, %scan3A_42 : i32
      %add3A_47 = arith.constant 1 : i32
      %add3A_48 = arith.addi %mul3A_46, %add3A_47 : i32
      %dma_start3A_49 = arith.constant 0 : i32
      %dma_start3A_50 = tpu.memref_slice %arg7[%add3A_48, %dma_start3A_49] : memref<40x125xi32, #tpu.memory_space<vmem>> -> memref<1x125xi32, #tpu.memory_space<vmem>>
      %dma_start3A_51 = tpu.memref_squeeze %dma_start3A_50 : memref<1x125xi32, #tpu.memory_space<vmem>> -> memref<125xi32, #tpu.memory_space<vmem>>
      %dma_start3A_52 = arith.constant 0 : i32
      %dma_start3A_53 = arith.constant 0 : i32
      %dma_start3A_54 = tpu.memref_slice %arg2[%dma_start3A_52, %dma_start3A_53] : memref<10000x128xf32, #tpu.memory_space<hbm>> -> memref<10000x128xf32, #tpu.memory_space<hbm>>
      tpu.enqueue_indirect_dma source(%dma_start3A_54 : memref<10000x128xf32, #tpu.memory_space<hbm>>) target(%arg10 : memref<125x128xf32, #tpu.memory_space<vmem>>) offsets(%dma_start3A_51 : memref<125xi32, #tpu.memory_space<vmem>>) semaphore(%arg13 : memref<!tpu.dma_semaphore, #tpu.memory_space<semaphore_mem>>)
      %dma_wait3A = arith.constant 0 : i32
      %dma_wait3A_55 = tpu.memref_slice %arg7[%mul3A_44, %dma_wait3A] : memref<40x125xi32, #tpu.memory_space<vmem>> -> memref<1x125xi32, #tpu.memory_space<vmem>>
      %dma_wait3A_56 = tpu.memref_squeeze %dma_wait3A_55 : memref<1x125xi32, #tpu.memory_space<vmem>> -> memref<125xi32, #tpu.memory_space<vmem>>
      %dma_wait3A_57 = arith.constant 0 : i32
      %dma_wait3A_58 = arith.constant 0 : i32
      %dma_wait3A_59 = tpu.memref_slice %arg2[%dma_wait3A_57, %dma_wait3A_58] : memref<10000x128xf32, #tpu.memory_space<hbm>> -> memref<10000x128xf32, #tpu.memory_space<hbm>>
      tpu.wait_indirect_dma semaphore(%arg12 : memref<!tpu.dma_semaphore, #tpu.memory_space<semaphore_mem>>) src(%dma_wait3A_59 : memref<10000x128xf32, #tpu.memory_space<hbm>>) dst(%arg9 : memref<125x128xf32, #tpu.memory_space<vmem>>)
      "tpu.region"() ({
        %run_scoped3A = tpu.sem_alloc : memref<!tpu.dma_semaphore, #tpu.memory_space<semaphore_mem>>
        %dma_start3A_73 = arith.constant 0 : i32
        %dma_start3A_74 = tpu.memref_slice %arg8[%mul3A_44, %dma_start3A_73] : memref<40x125xi32, #tpu.memory_space<vmem>> -> memref<1x125xi32, #tpu.memory_space<vmem>>
        %dma_start3A_75 = tpu.memref_squeeze %dma_start3A_74 : memref<1x125xi32, #tpu.memory_space<vmem>> -> memref<125xi32, #tpu.memory_space<vmem>>
        %dma_start3A_76 = arith.constant 0 : i32
        %dma_start3A_77 = arith.constant 0 : i32
        %dma_start3A_78 = tpu.memref_slice %arg11[%dma_start3A_76, %dma_start3A_77] : memref<10000x128xf32, #tpu.memory_space<vmem_shared>> -> memref<10000x128xf32, #tpu.memory_space<vmem_shared>>
        tpu.enqueue_indirect_dma source(%arg9 : memref<125x128xf32, #tpu.memory_space<vmem>>) target(%dma_start3A_78 : memref<10000x128xf32, #tpu.memory_space<vmem_shared>>) offsets(%dma_start3A_75 : memref<125xi32, #tpu.memory_space<vmem>>) semaphore(%run_scoped3A : memref<!tpu.dma_semaphore, #tpu.memory_space<semaphore_mem>>) {add = true}
        %dma_wait3A_79 = arith.constant 0 : i32
        %dma_wait3A_80 = tpu.memref_slice %arg8[%mul3A_44, %dma_wait3A_79] : memref<40x125xi32, #tpu.memory_space<vmem>> -> memref<1x125xi32, #tpu.memory_space<vmem>>
        %dma_wait3A_81 = tpu.memref_squeeze %dma_wait3A_80 : memref<1x125xi32, #tpu.memory_space<vmem>> -> memref<125xi32, #tpu.memory_space<vmem>>
        %dma_wait3A_82 = arith.constant 0 : i32
        %dma_wait3A_83 = arith.constant 0 : i32
        %dma_wait3A_84 = tpu.memref_slice %arg11[%dma_wait3A_82, %dma_wait3A_83] : memref<10000x128xf32, #tpu.memory_space<vmem_shared>> -> memref<10000x128xf32, #tpu.memory_space<vmem_shared>>
        tpu.wait_indirect_dma semaphore(%run_scoped3A : memref<!tpu.dma_semaphore, #tpu.memory_space<semaphore_mem>>) src(%arg9 : memref<125x128xf32, #tpu.memory_space<vmem>>) dst(%dma_wait3A_84 : memref<10000x128xf32, #tpu.memory_space<vmem_shared>>)
        tpu.yield
      }) : () -> ()
      %add3A_60 = arith.constant 1 : i32
      %add3A_61 = arith.addi %scan3A_42, %add3A_60 : i32
      %lt3A_62 = arith.constant 20 : i32
      %lt3A_63 = arith.cmpi slt, %add3A_61, %lt3A_62 : i32
      %convert_element_type3A_64 = arith.extui %lt3A_63 : i1 to i32
      %cond3A_65 = arith.constant 0 : i32
      %cond3A_66 = arith.cmpi ne, %convert_element_type3A_64, %cond3A_65 : i32
      scf.if %cond3A_66 {
        %add3A_73 = arith.constant 2 : i32
        %add3A_74 = arith.addi %mul3A_44, %add3A_73 : i32
        %dma_start3A_75 = arith.constant 0 : i32
        %dma_start3A_76 = tpu.memref_slice %arg7[%add3A_74, %dma_start3A_75] : memref<40x125xi32, #tpu.memory_space<vmem>> -> memref<1x125xi32, #tpu.memory_space<vmem>>
        %dma_start3A_77 = tpu.memref_squeeze %dma_start3A_76 : memref<1x125xi32, #tpu.memory_space<vmem>> -> memref<125xi32, #tpu.memory_space<vmem>>
        %dma_start3A_78 = arith.constant 0 : i32
        %dma_start3A_79 = arith.constant 0 : i32
        %dma_start3A_80 = tpu.memref_slice %arg2[%dma_start3A_78, %dma_start3A_79] : memref<10000x128xf32, #tpu.memory_space<hbm>> -> memref<10000x128xf32, #tpu.memory_space<hbm>>
        tpu.enqueue_indirect_dma source(%dma_start3A_80 : memref<10000x128xf32, #tpu.memory_space<hbm>>) target(%arg9 : memref<125x128xf32, #tpu.memory_space<vmem>>) offsets(%dma_start3A_77 : memref<125xi32, #tpu.memory_space<vmem>>) semaphore(%arg12 : memref<!tpu.dma_semaphore, #tpu.memory_space<semaphore_mem>>)
      } else {
      }
      %dma_wait3A_67 = arith.constant 0 : i32
      %dma_wait3A_68 = tpu.memref_slice %arg7[%add3A_48, %dma_wait3A_67] : memref<40x125xi32, #tpu.memory_space<vmem>> -> memref<1x125xi32, #tpu.memory_space<vmem>>
      %dma_wait3A_69 = tpu.memref_squeeze %dma_wait3A_68 : memref<1x125xi32, #tpu.memory_space<vmem>> -> memref<125xi32, #tpu.memory_space<vmem>>
      %dma_wait3A_70 = arith.constant 0 : i32
      %dma_wait3A_71 = arith.constant 0 : i32
      %dma_wait3A_72 = tpu.memref_slice %arg2[%dma_wait3A_70, %dma_wait3A_71] : memref<10000x128xf32, #tpu.memory_space<hbm>> -> memref<10000x128xf32, #tpu.memory_space<hbm>>
      tpu.wait_indirect_dma semaphore(%arg13 : memref<!tpu.dma_semaphore, #tpu.memory_space<semaphore_mem>>) src(%dma_wait3A_72 : memref<10000x128xf32, #tpu.memory_space<hbm>>) dst(%arg10 : memref<125x128xf32, #tpu.memory_space<vmem>>)
      "tpu.region"() ({
        %run_scoped3A = tpu.sem_alloc : memref<!tpu.dma_semaphore, #tpu.memory_space<semaphore_mem>>
        %dma_start3A_73 = arith.constant 0 : i32
        %dma_start3A_74 = tpu.memref_slice %arg8[%add3A_48, %dma_start3A_73] : memref<40x125xi32, #tpu.memory_space<vmem>> -> memref<1x125xi32, #tpu.memory_space<vmem>>
        %dma_start3A_75 = tpu.memref_squeeze %dma_start3A_74 : memref<1x125xi32, #tpu.memory_space<vmem>> -> memref<125xi32, #tpu.memory_space<vmem>>
        %dma_start3A_76 = arith.constant 0 : i32
        %dma_start3A_77 = arith.constant 0 : i32
        %dma_start3A_78 = tpu.memref_slice %arg11[%dma_start3A_76, %dma_start3A_77] : memref<10000x128xf32, #tpu.memory_space<vmem_shared>> -> memref<10000x128xf32, #tpu.memory_space<vmem_shared>>
        tpu.enqueue_indirect_dma source(%arg10 : memref<125x128xf32, #tpu.memory_space<vmem>>) target(%dma_start3A_78 : memref<10000x128xf32, #tpu.memory_space<vmem_shared>>) offsets(%dma_start3A_75 : memref<125xi32, #tpu.memory_space<vmem>>) semaphore(%run_scoped3A : memref<!tpu.dma_semaphore, #tpu.memory_space<semaphore_mem>>) {add = true}
        %dma_wait3A_79 = arith.constant 0 : i32
        %dma_wait3A_80 = tpu.memref_slice %arg8[%add3A_48, %dma_wait3A_79] : memref<40x125xi32, #tpu.memory_space<vmem>> -> memref<1x125xi32, #tpu.memory_space<vmem>>
        %dma_wait3A_81 = tpu.memref_squeeze %dma_wait3A_80 : memref<1x125xi32, #tpu.memory_space<vmem>> -> memref<125xi32, #tpu.memory_space<vmem>>
        %dma_wait3A_82 = arith.constant 0 : i32
        %dma_wait3A_83 = arith.constant 0 : i32
        %dma_wait3A_84 = tpu.memref_slice %arg11[%dma_wait3A_82, %dma_wait3A_83] : memref<10000x128xf32, #tpu.memory_space<vmem_shared>> -> memref<10000x128xf32, #tpu.memory_space<vmem_shared>>
        tpu.wait_indirect_dma semaphore(%run_scoped3A : memref<!tpu.dma_semaphore, #tpu.memory_space<semaphore_mem>>) src(%arg10 : memref<125x128xf32, #tpu.memory_space<vmem>>) dst(%dma_wait3A_84 : memref<10000x128xf32, #tpu.memory_space<vmem_shared>>)
        tpu.yield
      }) : () -> ()
    }
    %scan3A_22 = arith.constant 20 : i32
    "tpu.region"() ({
      %run_scoped3A = tpu.sem_alloc : memref<!tpu.dma_semaphore, #tpu.memory_space<semaphore_mem>>
      %dma_start3A_42 = arith.constant 40 : i32
      %dma_start3A_43 = arith.constant 0 : i32
      %dma_start3A_44 = tpu.memref_slice %arg3[%add3A, %dma_start3A_42, %dma_start3A_43] : memref<32x80x125xi32, #tpu.memory_space<hbm>> -> memref<1x40x125xi32, #tpu.memory_space<hbm>>
      %dma_start3A_45 = tpu.memref_squeeze %dma_start3A_44 : memref<1x40x125xi32, #tpu.memory_space<hbm>> -> memref<40x125xi32, #tpu.memory_space<hbm>>
      %dma_start3A_46 = arith.constant 40 : i32
      %dma_start3A_47 = arith.constant 0 : i32
      %dma_start3A_48 = tpu.memref_slice %arg3[%add3A, %dma_start3A_46, %dma_start3A_47] : memref<32x80x125xi32, #tpu.memory_space<hbm>> -> memref<1x40x125xi32, #tpu.memory_space<hbm>>
      %dma_start3A_49 = tpu.memref_squeeze %dma_start3A_48 : memref<1x40x125xi32, #tpu.memory_space<hbm>> -> memref<40x125xi32, #tpu.memory_space<hbm>>
      tpu.enqueue_dma source(%dma_start3A_49 : memref<40x125xi32, #tpu.memory_space<hbm>>) target(%arg7 : memref<40x125xi32, #tpu.memory_space<vmem>>) target_semaphore(%run_scoped3A : memref<!tpu.dma_semaphore, #tpu.memory_space<semaphore_mem>>)
      %dma_wait3A = arith.constant 40 : i32
      %dma_wait3A_50 = arith.constant 0 : i32
      %dma_wait3A_51 = tpu.memref_slice %arg3[%add3A, %dma_wait3A, %dma_wait3A_50] : memref<32x80x125xi32, #tpu.memory_space<hbm>> -> memref<1x40x125xi32, #tpu.memory_space<hbm>>
      %dma_wait3A_52 = tpu.memref_squeeze %dma_wait3A_51 : memref<1x40x125xi32, #tpu.memory_space<hbm>> -> memref<40x125xi32, #tpu.memory_space<hbm>>
      %dma_wait3A_53 = arith.constant 40 : i32
      %dma_wait3A_54 = arith.constant 0 : i32
      %dma_wait3A_55 = tpu.memref_slice %arg3[%add3A, %dma_wait3A_53, %dma_wait3A_54] : memref<32x80x125xi32, #tpu.memory_space<hbm>> -> memref<1x40x125xi32, #tpu.memory_space<hbm>>
      %dma_wait3A_56 = tpu.memref_squeeze %dma_wait3A_55 : memref<1x40x125xi32, #tpu.memory_space<hbm>> -> memref<40x125xi32, #tpu.memory_space<hbm>>
      tpu.wait_dma2 semaphore(%run_scoped3A : memref<!tpu.dma_semaphore, #tpu.memory_space<semaphore_mem>>) src(%dma_wait3A_56 : memref<40x125xi32, #tpu.memory_space<hbm>>) dst(%arg7 : memref<40x125xi32, #tpu.memory_space<vmem>>)
      tpu.yield
    }) : () -> ()
    "tpu.region"() ({
      %run_scoped3A = tpu.sem_alloc : memref<!tpu.dma_semaphore, #tpu.memory_space<semaphore_mem>>
      %dma_start3A_42 = arith.constant 40 : i32
      %dma_start3A_43 = arith.constant 0 : i32
      %dma_start3A_44 = tpu.memref_slice %arg4[%add3A, %dma_start3A_42, %dma_start3A_43] : memref<32x80x125xi32, #tpu.memory_space<hbm>> -> memref<1x40x125xi32, #tpu.memory_space<hbm>>
      %dma_start3A_45 = tpu.memref_squeeze %dma_start3A_44 : memref<1x40x125xi32, #tpu.memory_space<hbm>> -> memref<40x125xi32, #tpu.memory_space<hbm>>
      %dma_start3A_46 = arith.constant 40 : i32
      %dma_start3A_47 = arith.constant 0 : i32
      %dma_start3A_48 = tpu.memref_slice %arg4[%add3A, %dma_start3A_46, %dma_start3A_47] : memref<32x80x125xi32, #tpu.memory_space<hbm>> -> memref<1x40x125xi32, #tpu.memory_space<hbm>>
      %dma_start3A_49 = tpu.memref_squeeze %dma_start3A_48 : memref<1x40x125xi32, #tpu.memory_space<hbm>> -> memref<40x125xi32, #tpu.memory_space<hbm>>
      tpu.enqueue_dma source(%dma_start3A_49 : memref<40x125xi32, #tpu.memory_space<hbm>>) target(%arg8 : memref<40x125xi32, #tpu.memory_space<vmem>>) target_semaphore(%run_scoped3A : memref<!tpu.dma_semaphore, #tpu.memory_space<semaphore_mem>>)
      %dma_wait3A = arith.constant 40 : i32
      %dma_wait3A_50 = arith.constant 0 : i32
      %dma_wait3A_51 = tpu.memref_slice %arg4[%add3A, %dma_wait3A, %dma_wait3A_50] : memref<32x80x125xi32, #tpu.memory_space<hbm>> -> memref<1x40x125xi32, #tpu.memory_space<hbm>>
      %dma_wait3A_52 = tpu.memref_squeeze %dma_wait3A_51 : memref<1x40x125xi32, #tpu.memory_space<hbm>> -> memref<40x125xi32, #tpu.memory_space<hbm>>
      %dma_wait3A_53 = arith.constant 40 : i32
      %dma_wait3A_54 = arith.constant 0 : i32
      %dma_wait3A_55 = tpu.memref_slice %arg4[%add3A, %dma_wait3A_53, %dma_wait3A_54] : memref<32x80x125xi32, #tpu.memory_space<hbm>> -> memref<1x40x125xi32, #tpu.memory_space<hbm>>
      %dma_wait3A_56 = tpu.memref_squeeze %dma_wait3A_55 : memref<1x40x125xi32, #tpu.memory_space<hbm>> -> memref<40x125xi32, #tpu.memory_space<hbm>>
      tpu.wait_dma2 semaphore(%run_scoped3A : memref<!tpu.dma_semaphore, #tpu.memory_space<semaphore_mem>>) src(%dma_wait3A_56 : memref<40x125xi32, #tpu.memory_space<hbm>>) dst(%arg8 : memref<40x125xi32, #tpu.memory_space<vmem>>)
      tpu.yield
    }) : () -> ()
    %dma_start3A_23 = arith.constant 0 : i32
    %dma_start3A_24 = arith.constant 0 : i32
    %dma_start3A_25 = tpu.memref_slice %arg7[%dma_start3A_23, %dma_start3A_24] : memref<40x125xi32, #tpu.memory_space<vmem>> -> memref<1x125xi32, #tpu.memory_space<vmem>>
    %dma_start3A_26 = tpu.memref_squeeze %dma_start3A_25 : memref<1x125xi32, #tpu.memory_space<vmem>> -> memref<125xi32, #tpu.memory_space<vmem>>
    %dma_start3A_27 = arith.constant 0 : i32
    %dma_start3A_28 = arith.constant 0 : i32
    %dma_start3A_29 = tpu.memref_slice %arg2[%dma_start3A_27, %dma_start3A_28] : memref<10000x128xf32, #tpu.memory_space<hbm>> -> memref<10000x128xf32, #tpu.memory_space<hbm>>
    tpu.enqueue_indirect_dma source(%dma_start3A_29 : memref<10000x128xf32, #tpu.memory_space<hbm>>) target(%arg9 : memref<125x128xf32, #tpu.memory_space<vmem>>) offsets(%dma_start3A_26 : memref<125xi32, #tpu.memory_space<vmem>>) semaphore(%arg12 : memref<!tpu.dma_semaphore, #tpu.memory_space<semaphore_mem>>)
    %scan3A_30 = arith.constant 0 : i32
    %scan3A_31 = arith.constant 0 : i32
    %scan3A_32 = arith.constant 20 : i32
    %scan3A_33 = arith.addi %scan3A_31, %scan3A_32 : i32
    %scan3A_34 = arith.constant 1 : i32
    scf.for %scan3A_42 = %scan3A_31 to %scan3A_33 step %scan3A_34  : i32 {
      %mul3A_43 = arith.constant 2 : i32
      %mul3A_44 = arith.muli %mul3A_43, %scan3A_42 : i32
      %mul3A_45 = arith.constant 2 : i32
      %mul3A_46 = arith.muli %mul3A_45, %scan3A_42 : i32
      %add3A_47 = arith.constant 1 : i32
      %add3A_48 = arith.addi %mul3A_46, %add3A_47 : i32
      %dma_start3A_49 = arith.constant 0 : i32
      %dma_start3A_50 = tpu.memref_slice %arg7[%add3A_48, %dma_start3A_49] : memref<40x125xi32, #tpu.memory_space<vmem>> -> memref<1x125xi32, #tpu.memory_space<vmem>>
      %dma_start3A_51 = tpu.memref_squeeze %dma_start3A_50 : memref<1x125xi32, #tpu.memory_space<vmem>> -> memref<125xi32, #tpu.memory_space<vmem>>
      %dma_start3A_52 = arith.constant 0 : i32
      %dma_start3A_53 = arith.constant 0 : i32
      %dma_start3A_54 = tpu.memref_slice %arg2[%dma_start3A_52, %dma_start3A_53] : memref<10000x128xf32, #tpu.memory_space<hbm>> -> memref<10000x128xf32, #tpu.memory_space<hbm>>
      tpu.enqueue_indirect_dma source(%dma_start3A_54 : memref<10000x128xf32, #tpu.memory_space<hbm>>) target(%arg10 : memref<125x128xf32, #tpu.memory_space<vmem>>) offsets(%dma_start3A_51 : memref<125xi32, #tpu.memory_space<vmem>>) semaphore(%arg13 : memref<!tpu.dma_semaphore, #tpu.memory_space<semaphore_mem>>)
      %dma_wait3A = arith.constant 0 : i32
      %dma_wait3A_55 = tpu.memref_slice %arg7[%mul3A_44, %dma_wait3A] : memref<40x125xi32, #tpu.memory_space<vmem>> -> memref<1x125xi32, #tpu.memory_space<vmem>>
      %dma_wait3A_56 = tpu.memref_squeeze %dma_wait3A_55 : memref<1x125xi32, #tpu.memory_space<vmem>> -> memref<125xi32, #tpu.memory_space<vmem>>
      %dma_wait3A_57 = arith.constant 0 : i32
      %dma_wait3A_58 = arith.constant 0 : i32
      %dma_wait3A_59 = tpu.memref_slice %arg2[%dma_wait3A_57, %dma_wait3A_58] : memref<10000x128xf32, #tpu.memory_space<hbm>> -> memref<10000x128xf32, #tpu.memory_space<hbm>>
      tpu.wait_indirect_dma semaphore(%arg12 : memref<!tpu.dma_semaphore, #tpu.memory_space<semaphore_mem>>) src(%dma_wait3A_59 : memref<10000x128xf32, #tpu.memory_space<hbm>>) dst(%arg9 : memref<125x128xf32, #tpu.memory_space<vmem>>)
      "tpu.region"() ({
        %run_scoped3A = tpu.sem_alloc : memref<!tpu.dma_semaphore, #tpu.memory_space<semaphore_mem>>
        %dma_start3A_73 = arith.constant 0 : i32
        %dma_start3A_74 = tpu.memref_slice %arg8[%mul3A_44, %dma_start3A_73] : memref<40x125xi32, #tpu.memory_space<vmem>> -> memref<1x125xi32, #tpu.memory_space<vmem>>
        %dma_start3A_75 = tpu.memref_squeeze %dma_start3A_74 : memref<1x125xi32, #tpu.memory_space<vmem>> -> memref<125xi32, #tpu.memory_space<vmem>>
        %dma_start3A_76 = arith.constant 0 : i32
        %dma_start3A_77 = arith.constant 0 : i32
        %dma_start3A_78 = tpu.memref_slice %arg11[%dma_start3A_76, %dma_start3A_77] : memref<10000x128xf32, #tpu.memory_space<vmem_shared>> -> memref<10000x128xf32, #tpu.memory_space<vmem_shared>>
        tpu.enqueue_indirect_dma source(%arg9 : memref<125x128xf32, #tpu.memory_space<vmem>>) target(%dma_start3A_78 : memref<10000x128xf32, #tpu.memory_space<vmem_shared>>) offsets(%dma_start3A_75 : memref<125xi32, #tpu.memory_space<vmem>>) semaphore(%run_scoped3A : memref<!tpu.dma_semaphore, #tpu.memory_space<semaphore_mem>>) {add = true}
        %dma_wait3A_79 = arith.constant 0 : i32
        %dma_wait3A_80 = tpu.memref_slice %arg8[%mul3A_44, %dma_wait3A_79] : memref<40x125xi32, #tpu.memory_space<vmem>> -> memref<1x125xi32, #tpu.memory_space<vmem>>
        %dma_wait3A_81 = tpu.memref_squeeze %dma_wait3A_80 : memref<1x125xi32, #tpu.memory_space<vmem>> -> memref<125xi32, #tpu.memory_space<vmem>>
        %dma_wait3A_82 = arith.constant 0 : i32
        %dma_wait3A_83 = arith.constant 0 : i32
        %dma_wait3A_84 = tpu.memref_slice %arg11[%dma_wait3A_82, %dma_wait3A_83] : memref<10000x128xf32, #tpu.memory_space<vmem_shared>> -> memref<10000x128xf32, #tpu.memory_space<vmem_shared>>
        tpu.wait_indirect_dma semaphore(%run_scoped3A : memref<!tpu.dma_semaphore, #tpu.memory_space<semaphore_mem>>) src(%arg9 : memref<125x128xf32, #tpu.memory_space<vmem>>) dst(%dma_wait3A_84 : memref<10000x128xf32, #tpu.memory_space<vmem_shared>>)
        tpu.yield
      }) : () -> ()
      %add3A_60 = arith.constant 1 : i32
      %add3A_61 = arith.addi %scan3A_42, %add3A_60 : i32
      %lt3A_62 = arith.constant 20 : i32
      %lt3A_63 = arith.cmpi slt, %add3A_61, %lt3A_62 : i32
      %convert_element_type3A_64 = arith.extui %lt3A_63 : i1 to i32
      %cond3A_65 = arith.constant 0 : i32
      %cond3A_66 = arith.cmpi ne, %convert_element_type3A_64, %cond3A_65 : i32
      scf.if %cond3A_66 {
        %add3A_73 = arith.constant 2 : i32
        %add3A_74 = arith.addi %mul3A_44, %add3A_73 : i32
        %dma_start3A_75 = arith.constant 0 : i32
        %dma_start3A_76 = tpu.memref_slice %arg7[%add3A_74, %dma_start3A_75] : memref<40x125xi32, #tpu.memory_space<vmem>> -> memref<1x125xi32, #tpu.memory_space<vmem>>
        %dma_start3A_77 = tpu.memref_squeeze %dma_start3A_76 : memref<1x125xi32, #tpu.memory_space<vmem>> -> memref<125xi32, #tpu.memory_space<vmem>>
        %dma_start3A_78 = arith.constant 0 : i32
        %dma_start3A_79 = arith.constant 0 : i32
        %dma_start3A_80 = tpu.memref_slice %arg2[%dma_start3A_78, %dma_start3A_79] : memref<10000x128xf32, #tpu.memory_space<hbm>> -> memref<10000x128xf32, #tpu.memory_space<hbm>>
        tpu.enqueue_indirect_dma source(%dma_start3A_80 : memref<10000x128xf32, #tpu.memory_space<hbm>>) target(%arg9 : memref<125x128xf32, #tpu.memory_space<vmem>>) offsets(%dma_start3A_77 : memref<125xi32, #tpu.memory_space<vmem>>) semaphore(%arg12 : memref<!tpu.dma_semaphore, #tpu.memory_space<semaphore_mem>>)
      } else {
      }
      %dma_wait3A_67 = arith.constant 0 : i32
      %dma_wait3A_68 = tpu.memref_slice %arg7[%add3A_48, %dma_wait3A_67] : memref<40x125xi32, #tpu.memory_space<vmem>> -> memref<1x125xi32, #tpu.memory_space<vmem>>
      %dma_wait3A_69 = tpu.memref_squeeze %dma_wait3A_68 : memref<1x125xi32, #tpu.memory_space<vmem>> -> memref<125xi32, #tpu.memory_space<vmem>>
      %dma_wait3A_70 = arith.constant 0 : i32
      %dma_wait3A_71 = arith.constant 0 : i32
      %dma_wait3A_72 = tpu.memref_slice %arg2[%dma_wait3A_70, %dma_wait3A_71] : memref<10000x128xf32, #tpu.memory_space<hbm>> -> memref<10000x128xf32, #tpu.memory_space<hbm>>
      tpu.wait_indirect_dma semaphore(%arg13 : memref<!tpu.dma_semaphore, #tpu.memory_space<semaphore_mem>>) src(%dma_wait3A_72 : memref<10000x128xf32, #tpu.memory_space<hbm>>) dst(%arg10 : memref<125x128xf32, #tpu.memory_space<vmem>>)
      "tpu.region"() ({
        %run_scoped3A = tpu.sem_alloc : memref<!tpu.dma_semaphore, #tpu.memory_space<semaphore_mem>>
        %dma_start3A_73 = arith.constant 0 : i32
        %dma_start3A_74 = tpu.memref_slice %arg8[%add3A_48, %dma_start3A_73] : memref<40x125xi32, #tpu.memory_space<vmem>> -> memref<1x125xi32, #tpu.memory_space<vmem>>
        %dma_start3A_75 = tpu.memref_squeeze %dma_start3A_74 : memref<1x125xi32, #tpu.memory_space<vmem>> -> memref<125xi32, #tpu.memory_space<vmem>>
        %dma_start3A_76 = arith.constant 0 : i32
        %dma_start3A_77 = arith.constant 0 : i32
        %dma_start3A_78 = tpu.memref_slice %arg11[%dma_start3A_76, %dma_start3A_77] : memref<10000x128xf32, #tpu.memory_space<vmem_shared>> -> memref<10000x128xf32, #tpu.memory_space<vmem_shared>>
        tpu.enqueue_indirect_dma source(%arg10 : memref<125x128xf32, #tpu.memory_space<vmem>>) target(%dma_start3A_78 : memref<10000x128xf32, #tpu.memory_space<vmem_shared>>) offsets(%dma_start3A_75 : memref<125xi32, #tpu.memory_space<vmem>>) semaphore(%run_scoped3A : memref<!tpu.dma_semaphore, #tpu.memory_space<semaphore_mem>>) {add = true}
        %dma_wait3A_79 = arith.constant 0 : i32
        %dma_wait3A_80 = tpu.memref_slice %arg8[%add3A_48, %dma_wait3A_79] : memref<40x125xi32, #tpu.memory_space<vmem>> -> memref<1x125xi32, #tpu.memory_space<vmem>>
        %dma_wait3A_81 = tpu.memref_squeeze %dma_wait3A_80 : memref<1x125xi32, #tpu.memory_space<vmem>> -> memref<125xi32, #tpu.memory_space<vmem>>
        %dma_wait3A_82 = arith.constant 0 : i32
        %dma_wait3A_83 = arith.constant 0 : i32
        %dma_wait3A_84 = tpu.memref_slice %arg11[%dma_wait3A_82, %dma_wait3A_83] : memref<10000x128xf32, #tpu.memory_space<vmem_shared>> -> memref<10000x128xf32, #tpu.memory_space<vmem_shared>>
        tpu.wait_indirect_dma semaphore(%run_scoped3A : memref<!tpu.dma_semaphore, #tpu.memory_space<semaphore_mem>>) src(%arg10 : memref<125x128xf32, #tpu.memory_space<vmem>>) dst(%dma_wait3A_84 : memref<10000x128xf32, #tpu.memory_space<vmem_shared>>)
        tpu.yield
      }) : () -> ()
    }
    %scan3A_35 = arith.constant 20 : i32
    %barrier3A_36 = arith.constant 0 : index
    tpu.barrier barrier_id(%barrier3A_36)
    %lt3A_37 = arith.constant 10 : i32
    %lt3A_38 = arith.cmpi slt, %arg1, %lt3A_37 : i32
    %convert_element_type3A_39 = arith.extui %lt3A_38 : i1 to i32
    %cond3A_40 = arith.constant 0 : i32
    %cond3A_41 = arith.cmpi ne, %convert_element_type3A_39, %cond3A_40 : i32
    scf.if %cond3A_41 {
      %mul3A_42 = arith.constant 1000 : i32
      %mul3A_43 = arith.muli %arg1, %mul3A_42 : i32
      %mul3A_44 = arith.constant 1000 : i32
      %mul3A_45 = arith.muli %arg1, %mul3A_44 : i32
      "tpu.region"() ({
        %run_scoped3A = tpu.sem_alloc : memref<!tpu.dma_semaphore, #tpu.memory_space<semaphore_mem>>
        %dma_start3A_46 = arith.constant 0 : i32
        %dma_start3A_47 = tpu.memref_slice %arg6[%arg0, %mul3A_45, %dma_start3A_46] : memref<2x10000x128xf32, #tpu.memory_space<hbm>> -> memref<1x1000x128xf32, #tpu.memory_space<hbm>>
        %dma_start3A_48 = tpu.memref_squeeze %dma_start3A_47 : memref<1x1000x128xf32, #tpu.memory_space<hbm>> -> memref<1000x128xf32, #tpu.memory_space<hbm>>
        %dma_start3A_49 = arith.constant 0 : i32
        %dma_start3A_50 = tpu.memref_slice %arg11[%mul3A_43, %dma_start3A_49] : memref<10000x128xf32, #tpu.memory_space<vmem_shared>> -> memref<1000x128xf32, #tpu.memory_space<vmem_shared>>
        tpu.enqueue_dma source(%dma_start3A_50 : memref<1000x128xf32, #tpu.memory_space<vmem_shared>>) target(%dma_start3A_48 : memref<1000x128xf32, #tpu.memory_space<hbm>>) target_semaphore(%run_scoped3A : memref<!tpu.dma_semaphore, #tpu.memory_space<semaphore_mem>>)
        %dma_wait3A = arith.constant 0 : i32
        %dma_wait3A_51 = tpu.memref_slice %arg6[%arg0, %mul3A_45, %dma_wait3A] : memref<2x10000x128xf32, #tpu.memory_space<hbm>> -> memref<1x1000x128xf32, #tpu.memory_space<hbm>>
        %dma_wait3A_52 = tpu.memref_squeeze %dma_wait3A_51 : memref<1x1000x128xf32, #tpu.memory_space<hbm>> -> memref<1000x128xf32, #tpu.memory_space<hbm>>
        %dma_wait3A_53 = arith.constant 0 : i32
        %dma_wait3A_54 = tpu.memref_slice %arg11[%mul3A_43, %dma_wait3A_53] : memref<10000x128xf32, #tpu.memory_space<vmem_shared>> -> memref<1000x128xf32, #tpu.memory_space<vmem_shared>>
        tpu.wait_dma2 semaphore(%run_scoped3A : memref<!tpu.dma_semaphore, #tpu.memory_space<semaphore_mem>>) src(%dma_wait3A_54 : memref<1000x128xf32, #tpu.memory_space<vmem_shared>>) dst(%dma_wait3A_52 : memref<1000x128xf32, #tpu.memory_space<hbm>>)
        tpu.yield
      }) : () -> ()
    } else {
    }
    return
  }
}

#map = affine_map<(d0, d1) -> (0, 0)>
#map1 = affine_map<(d0, d1) -> (0, 0, 0)>
module attributes {stable_mosaic.version = 14 : i64} {
  func.func @_scatter_body(%arg0: i32, %arg1: i32, %arg2: memref<10000x128xf32, #tpu.memory_space<hbm>>, %arg3: memref<32x80x125xi32, #tpu.memory_space<hbm>>, %arg4: memref<32x80x125xi32, #tpu.memory_space<hbm>>, %arg5: memref<1000x128xf32, #tpu.memory_space<hbm>>, %arg6: memref<2x10000x128xf32, #tpu.memory_space<hbm>>, %arg7: memref<40x125xi32, #tpu.memory_space<vmem>>, %arg8: memref<40x125xi32, #tpu.memory_space<vmem>>, %arg9: memref<125x128xf32, #tpu.memory_space<vmem>>, %arg10: memref<125x128xf32, #tpu.memory_space<vmem>>, %arg11: memref<10000x128xf32, #tpu.memory_space<vmem_shared>>, %arg12: memref<!tpu.dma_semaphore, #tpu.memory_space<semaphore_mem>>, %arg13: memref<!tpu.dma_semaphore, #tpu.memory_space<semaphore_mem>>) attributes {dimension_semantics = [#tpu.dimension_semantics<core_parallel>, #tpu.dimension_semantics<subcore_parallel>], iteration_bounds = array<i64: 2, 16>, scalar_prefetch = 0 : i64, scratch_operands = 7 : i64, tpu.core_type = #tpu.core_type<sc_vector_subcore>, window_params = [{transform_indices = #map}, {transform_indices = #map1}, {transform_indices = #map1}, {transform_indices = #map}, {transform_indices = #map1}]} {
    %mul3A = arith.constant 16 : i32
    %mul3A_0 = arith.muli %arg0, %mul3A : i32
    %add3A = arith.addi %mul3A_0, %arg1 : i32
    %lt3A = arith.constant 10 : i32
    %lt3A_1 = arith.cmpi slt, %arg1, %lt3A : i32
    %eq3A = arith.constant 0 : i32
    %eq3A_2 = arith.cmpi eq, %arg0, %eq3A : i32
    %and3A = arith.andi %lt3A_1, %eq3A_2 : i1
    %convert_element_type3A = arith.extui %and3A : i1 to i32
    %cond3A = arith.constant 0 : i32
    %cond3A_3 = arith.cmpi ne, %convert_element_type3A, %cond3A : i32
    scf.if %cond3A_3 {
      %mul3A_42 = arith.constant 1000 : i32
      %mul3A_43 = arith.muli %arg1, %mul3A_42 : i32
      %mul3A_44 = arith.constant 1000 : i32
      %mul3A_45 = arith.muli %arg1, %mul3A_44 : i32
      "tpu.region"() ({
        %run_scoped3A = tpu.sem_alloc : memref<!tpu.dma_semaphore, #tpu.memory_space<semaphore_mem>>
        %dma_start3A_46 = arith.constant 0 : i32
        %dma_start3A_47 = tpu.memref_slice %arg11[%mul3A_45, %dma_start3A_46] : memref<10000x128xf32, #tpu.memory_space<vmem_shared>> -> memref<1000x128xf32, #tpu.memory_space<vmem_shared>>
        %dma_start3A_48 = arith.constant 0 : i32
        %dma_start3A_49 = tpu.memref_slice %arg2[%mul3A_43, %dma_start3A_48] : memref<10000x128xf32, #tpu.memory_space<hbm>> -> memref<1000x128xf32, #tpu.memory_space<hbm>>
        tpu.enqueue_dma source(%dma_start3A_49 : memref<1000x128xf32, #tpu.memory_space<hbm>>) target(%dma_start3A_47 : memref<1000x128xf32, #tpu.memory_space<vmem_shared>>) target_semaphore(%run_scoped3A : memref<!tpu.dma_semaphore, #tpu.memory_space<semaphore_mem>>)
        %dma_wait3A = arith.constant 0 : i32
        %dma_wait3A_50 = tpu.memref_slice %arg11[%mul3A_45, %dma_wait3A] : memref<10000x128xf32, #tpu.memory_space<vmem_shared>> -> memref<1000x128xf32, #tpu.memory_space<vmem_shared>>
        %dma_wait3A_51 = arith.constant 0 : i32
        %dma_wait3A_52 = tpu.memref_slice %arg2[%mul3A_43, %dma_wait3A_51] : memref<10000x128xf32, #tpu.memory_space<hbm>> -> memref<1000x128xf32, #tpu.memory_space<hbm>>
        tpu.wait_dma2 semaphore(%run_scoped3A : memref<!tpu.dma_semaphore, #tpu.memory_space<semaphore_mem>>) src(%dma_wait3A_52 : memref<1000x128xf32, #tpu.memory_space<hbm>>) dst(%dma_wait3A_50 : memref<1000x128xf32, #tpu.memory_space<vmem_shared>>)
        tpu.yield
      }) : () -> ()
    } else {
    }
    %lt3A_4 = arith.constant 10 : i32
    %lt3A_5 = arith.cmpi slt, %arg1, %lt3A_4 : i32
    %eq3A_6 = arith.constant 1 : i32
    %eq3A_7 = arith.cmpi eq, %arg0, %eq3A_6 : i32
    %and3A_8 = arith.andi %lt3A_5, %eq3A_7 : i1
    %convert_element_type3A_9 = arith.extui %and3A_8 : i1 to i32
    %cond3A_10 = arith.constant 0 : i32
    %cond3A_11 = arith.cmpi ne, %convert_element_type3A_9, %cond3A_10 : i32
    scf.if %cond3A_11 {
      %mul3A_42 = arith.constant 1000 : i32
      %mul3A_43 = arith.muli %arg1, %mul3A_42 : i32
      "tpu.region"() ({
        %run_scoped3A = tpu.sem_alloc : memref<!tpu.dma_semaphore, #tpu.memory_space<semaphore_mem>>
        %dma_start3A_44 = arith.constant 0 : i32
        %dma_start3A_45 = tpu.memref_slice %arg11[%mul3A_43, %dma_start3A_44] : memref<10000x128xf32, #tpu.memory_space<vmem_shared>> -> memref<1000x128xf32, #tpu.memory_space<vmem_shared>>
        tpu.enqueue_dma source(%arg5 : memref<1000x128xf32, #tpu.memory_space<hbm>>) target(%dma_start3A_45 : memref<1000x128xf32, #tpu.memory_space<vmem_shared>>) target_semaphore(%run_scoped3A : memref<!tpu.dma_semaphore, #tpu.memory_space<semaphore_mem>>)
        %dma_wait3A = arith.constant 0 : i32
        %dma_wait3A_46 = tpu.memref_slice %arg11[%mul3A_43, %dma_wait3A] : memref<10000x128xf32, #tpu.memory_space<vmem_shared>> -> memref<1000x128xf32, #tpu.memory_space<vmem_shared>>
        tpu.wait_dma2 semaphore(%run_scoped3A : memref<!tpu.dma_semaphore, #tpu.memory_space<semaphore_mem>>) src(%arg5 : memref<1000x128xf32, #tpu.memory_space<hbm>>) dst(%dma_wait3A_46 : memref<1000x128xf32, #tpu.memory_space<vmem_shared>>)
        tpu.yield
      }) : () -> ()
    } else {
    }
    "tpu.region"() ({
      %run_scoped3A = tpu.sem_alloc : memref<!tpu.dma_semaphore, #tpu.memory_space<semaphore_mem>>
      %dma_start3A_42 = arith.constant 0 : i32
      %dma_start3A_43 = arith.constant 0 : i32
      %dma_start3A_44 = tpu.memref_slice %arg3[%add3A, %dma_start3A_42, %dma_start3A_43] : memref<32x80x125xi32, #tpu.memory_space<hbm>> -> memref<1x40x125xi32, #tpu.memory_space<hbm>>
      %dma_start3A_45 = tpu.memref_squeeze %dma_start3A_44 : memref<1x40x125xi32, #tpu.memory_space<hbm>> -> memref<40x125xi32, #tpu.memory_space<hbm>>
      %dma_start3A_46 = arith.constant 0 : i32
      %dma_start3A_47 = arith.constant 0 : i32
      %dma_start3A_48 = tpu.memref_slice %arg3[%add3A, %dma_start3A_46, %dma_start3A_47] : memref<32x80x125xi32, #tpu.memory_space<hbm>> -> memref<1x40x125xi32, #tpu.memory_space<hbm>>
      %dma_start3A_49 = tpu.memref_squeeze %dma_start3A_48 : memref<1x40x125xi32, #tpu.memory_space<hbm>> -> memref<40x125xi32, #tpu.memory_space<hbm>>
      tpu.enqueue_dma source(%dma_start3A_49 : memref<40x125xi32, #tpu.memory_space<hbm>>) target(%arg7 : memref<40x125xi32, #tpu.memory_space<vmem>>) target_semaphore(%run_scoped3A : memref<!tpu.dma_semaphore, #tpu.memory_space<semaphore_mem>>)
      %dma_wait3A = arith.constant 0 : i32
      %dma_wait3A_50 = arith.constant 0 : i32
      %dma_wait3A_51 = tpu.memref_slice %arg3[%add3A, %dma_wait3A, %dma_wait3A_50] : memref<32x80x125xi32, #tpu.memory_space<hbm>> -> memref<1x40x125xi32, #tpu.memory_space<hbm>>
      %dma_wait3A_52 = tpu.memref_squeeze %dma_wait3A_51 : memref<1x40x125xi32, #tpu.memory_space<hbm>> -> memref<40x125xi32, #tpu.memory_space<hbm>>
      %dma_wait3A_53 = arith.constant 0 : i32
      %dma_wait3A_54 = arith.constant 0 : i32
      %dma_wait3A_55 = tpu.memref_slice %arg3[%add3A, %dma_wait3A_53, %dma_wait3A_54] : memref<32x80x125xi32, #tpu.memory_space<hbm>> -> memref<1x40x125xi32, #tpu.memory_space<hbm>>
      %dma_wait3A_56 = tpu.memref_squeeze %dma_wait3A_55 : memref<1x40x125xi32, #tpu.memory_space<hbm>> -> memref<40x125xi32, #tpu.memory_space<hbm>>
      tpu.wait_dma2 semaphore(%run_scoped3A : memref<!tpu.dma_semaphore, #tpu.memory_space<semaphore_mem>>) src(%dma_wait3A_56 : memref<40x125xi32, #tpu.memory_space<hbm>>) dst(%arg7 : memref<40x125xi32, #tpu.memory_space<vmem>>)
      tpu.yield
    }) : () -> ()
    "tpu.region"() ({
      %run_scoped3A = tpu.sem_alloc : memref<!tpu.dma_semaphore, #tpu.memory_space<semaphore_mem>>
      %dma_start3A_42 = arith.constant 0 : i32
      %dma_start3A_43 = arith.constant 0 : i32
      %dma_start3A_44 = tpu.memref_slice %arg4[%add3A, %dma_start3A_42, %dma_start3A_43] : memref<32x80x125xi32, #tpu.memory_space<hbm>> -> memref<1x40x125xi32, #tpu.memory_space<hbm>>
      %dma_start3A_45 = tpu.memref_squeeze %dma_start3A_44 : memref<1x40x125xi32, #tpu.memory_space<hbm>> -> memref<40x125xi32, #tpu.memory_space<hbm>>
      %dma_start3A_46 = arith.constant 0 : i32
      %dma_start3A_47 = arith.constant 0 : i32
      %dma_start3A_48 = tpu.memref_slice %arg4[%add3A, %dma_start3A_46, %dma_start3A_47] : memref<32x80x125xi32, #tpu.memory_space<hbm>> -> memref<1x40x125xi32, #tpu.memory_space<hbm>>
      %dma_start3A_49 = tpu.memref_squeeze %dma_start3A_48 : memref<1x40x125xi32, #tpu.memory_space<hbm>> -> memref<40x125xi32, #tpu.memory_space<hbm>>
      tpu.enqueue_dma source(%dma_start3A_49 : memref<40x125xi32, #tpu.memory_space<hbm>>) target(%arg8 : memref<40x125xi32, #tpu.memory_space<vmem>>) target_semaphore(%run_scoped3A : memref<!tpu.dma_semaphore, #tpu.memory_space<semaphore_mem>>)
      %dma_wait3A = arith.constant 0 : i32
      %dma_wait3A_50 = arith.constant 0 : i32
      %dma_wait3A_51 = tpu.memref_slice %arg4[%add3A, %dma_wait3A, %dma_wait3A_50] : memref<32x80x125xi32, #tpu.memory_space<hbm>> -> memref<1x40x125xi32, #tpu.memory_space<hbm>>
      %dma_wait3A_52 = tpu.memref_squeeze %dma_wait3A_51 : memref<1x40x125xi32, #tpu.memory_space<hbm>> -> memref<40x125xi32, #tpu.memory_space<hbm>>
      %dma_wait3A_53 = arith.constant 0 : i32
      %dma_wait3A_54 = arith.constant 0 : i32
      %dma_wait3A_55 = tpu.memref_slice %arg4[%add3A, %dma_wait3A_53, %dma_wait3A_54] : memref<32x80x125xi32, #tpu.memory_space<hbm>> -> memref<1x40x125xi32, #tpu.memory_space<hbm>>
      %dma_wait3A_56 = tpu.memref_squeeze %dma_wait3A_55 : memref<1x40x125xi32, #tpu.memory_space<hbm>> -> memref<40x125xi32, #tpu.memory_space<hbm>>
      tpu.wait_dma2 semaphore(%run_scoped3A : memref<!tpu.dma_semaphore, #tpu.memory_space<semaphore_mem>>) src(%dma_wait3A_56 : memref<40x125xi32, #tpu.memory_space<hbm>>) dst(%arg8 : memref<40x125xi32, #tpu.memory_space<vmem>>)
      tpu.yield
    }) : () -> ()
    %dma_start3A = arith.constant 0 : i32
    %dma_start3A_12 = arith.constant 0 : i32
    %dma_start3A_13 = tpu.memref_slice %arg7[%dma_start3A, %dma_start3A_12] : memref<40x125xi32, #tpu.memory_space<vmem>> -> memref<1x125xi32, #tpu.memory_space<vmem>>
    %dma_start3A_14 = tpu.memref_squeeze %dma_start3A_13 : memref<1x125xi32, #tpu.memory_space<vmem>> -> memref<125xi32, #tpu.memory_space<vmem>>
    %dma_start3A_15 = arith.constant 0 : i32
    %dma_start3A_16 = arith.constant 0 : i32
    %dma_start3A_17 = tpu.memref_slice %arg2[%dma_start3A_15, %dma_start3A_16] : memref<10000x128xf32, #tpu.memory_space<hbm>> -> memref<10000x128xf32, #tpu.memory_space<hbm>>
    tpu.enqueue_indirect_dma source(%dma_start3A_17 : memref<10000x128xf32, #tpu.memory_space<hbm>>) target(%arg9 : memref<125x128xf32, #tpu.memory_space<vmem>>) offsets(%dma_start3A_14 : memref<125xi32, #tpu.memory_space<vmem>>) semaphore(%arg12 : memref<!tpu.dma_semaphore, #tpu.memory_space<semaphore_mem>>)
    %barrier3A = arith.constant 0 : index
    tpu.barrier barrier_id(%barrier3A)
    %scan3A = arith.constant 0 : i32
    %scan3A_18 = arith.constant 0 : i32
    %scan3A_19 = arith.constant 20 : i32
    %scan3A_20 = arith.addi %scan3A_18, %scan3A_19 : i32
    %scan3A_21 = arith.constant 1 : i32
    scf.for %scan3A_42 = %scan3A_18 to %scan3A_20 step %scan3A_21  : i32 {
      %mul3A_43 = arith.constant 2 : i32
      %mul3A_44 = arith.muli %mul3A_43, %scan3A_42 : i32
      %mul3A_45 = arith.constant 2 : i32
      %mul3A_46 = arith.muli %mul3A_45, %scan3A_42 : i32
      %add3A_47 = arith.constant 1 : i32
      %add3A_48 = arith.addi %mul3A_46, %add3A_47 : i32
      %dma_start3A_49 = arith.constant 0 : i32
      %dma_start3A_50 = tpu.memref_slice %arg7[%add3A_48, %dma_start3A_49] : memref<40x125xi32, #tpu.memory_space<vmem>> -> memref<1x125xi32, #tpu.memory_space<vmem>>
      %dma_start3A_51 = tpu.memref_squeeze %dma_start3A_50 : memref<1x125xi32, #tpu.memory_space<vmem>> -> memref<125xi32, #tpu.memory_space<vmem>>
      %dma_start3A_52 = arith.constant 0 : i32
      %dma_start3A_53 = arith.constant 0 : i32
      %dma_start3A_54 = tpu.memref_slice %arg2[%dma_start3A_52, %dma_start3A_53] : memref<10000x128xf32, #tpu.memory_space<hbm>> -> memref<10000x128xf32, #tpu.memory_space<hbm>>
      tpu.enqueue_indirect_dma source(%dma_start3A_54 : memref<10000x128xf32, #tpu.memory_space<hbm>>) target(%arg10 : memref<125x128xf32, #tpu.memory_space<vmem>>) offsets(%dma_start3A_51 : memref<125xi32, #tpu.memory_space<vmem>>) semaphore(%arg13 : memref<!tpu.dma_semaphore, #tpu.memory_space<semaphore_mem>>)
      %dma_wait3A = arith.constant 0 : i32
      %dma_wait3A_55 = tpu.memref_slice %arg7[%mul3A_44, %dma_wait3A] : memref<40x125xi32, #tpu.memory_space<vmem>> -> memref<1x125xi32, #tpu.memory_space<vmem>>
      %dma_wait3A_56 = tpu.memref_squeeze %dma_wait3A_55 : memref<1x125xi32, #tpu.memory_space<vmem>> -> memref<125xi32, #tpu.memory_space<vmem>>
      %dma_wait3A_57 = arith.constant 0 : i32
      %dma_wait3A_58 = arith.constant 0 : i32
      %dma_wait3A_59 = tpu.memref_slice %arg2[%dma_wait3A_57, %dma_wait3A_58] : memref<10000x128xf32, #tpu.memory_space<hbm>> -> memref<10000x128xf32, #tpu.memory_space<hbm>>
      tpu.wait_indirect_dma semaphore(%arg12 : memref<!tpu.dma_semaphore, #tpu.memory_space<semaphore_mem>>) src(%dma_wait3A_59 : memref<10000x128xf32, #tpu.memory_space<hbm>>) dst(%arg9 : memref<125x128xf32, #tpu.memory_space<vmem>>)
      "tpu.region"() ({
        %run_scoped3A = tpu.sem_alloc : memref<!tpu.dma_semaphore, #tpu.memory_space<semaphore_mem>>
        %dma_start3A_73 = arith.constant 0 : i32
        %dma_start3A_74 = tpu.memref_slice %arg8[%mul3A_44, %dma_start3A_73] : memref<40x125xi32, #tpu.memory_space<vmem>> -> memref<1x125xi32, #tpu.memory_space<vmem>>
        %dma_start3A_75 = tpu.memref_squeeze %dma_start3A_74 : memref<1x125xi32, #tpu.memory_space<vmem>> -> memref<125xi32, #tpu.memory_space<vmem>>
        %dma_start3A_76 = arith.constant 0 : i32
        %dma_start3A_77 = arith.constant 0 : i32
        %dma_start3A_78 = tpu.memref_slice %arg11[%dma_start3A_76, %dma_start3A_77] : memref<10000x128xf32, #tpu.memory_space<vmem_shared>> -> memref<10000x128xf32, #tpu.memory_space<vmem_shared>>
        tpu.enqueue_indirect_dma source(%arg9 : memref<125x128xf32, #tpu.memory_space<vmem>>) target(%dma_start3A_78 : memref<10000x128xf32, #tpu.memory_space<vmem_shared>>) offsets(%dma_start3A_75 : memref<125xi32, #tpu.memory_space<vmem>>) semaphore(%run_scoped3A : memref<!tpu.dma_semaphore, #tpu.memory_space<semaphore_mem>>) {add = true}
        %dma_wait3A_79 = arith.constant 0 : i32
        %dma_wait3A_80 = tpu.memref_slice %arg8[%mul3A_44, %dma_wait3A_79] : memref<40x125xi32, #tpu.memory_space<vmem>> -> memref<1x125xi32, #tpu.memory_space<vmem>>
        %dma_wait3A_81 = tpu.memref_squeeze %dma_wait3A_80 : memref<1x125xi32, #tpu.memory_space<vmem>> -> memref<125xi32, #tpu.memory_space<vmem>>
        %dma_wait3A_82 = arith.constant 0 : i32
        %dma_wait3A_83 = arith.constant 0 : i32
        %dma_wait3A_84 = tpu.memref_slice %arg11[%dma_wait3A_82, %dma_wait3A_83] : memref<10000x128xf32, #tpu.memory_space<vmem_shared>> -> memref<10000x128xf32, #tpu.memory_space<vmem_shared>>
        tpu.wait_indirect_dma semaphore(%run_scoped3A : memref<!tpu.dma_semaphore, #tpu.memory_space<semaphore_mem>>) src(%arg9 : memref<125x128xf32, #tpu.memory_space<vmem>>) dst(%dma_wait3A_84 : memref<10000x128xf32, #tpu.memory_space<vmem_shared>>)
        tpu.yield
      }) : () -> ()
      %add3A_60 = arith.constant 1 : i32
      %add3A_61 = arith.addi %scan3A_42, %add3A_60 : i32
      %lt3A_62 = arith.constant 20 : i32
      %lt3A_63 = arith.cmpi slt, %add3A_61, %lt3A_62 : i32
      %convert_element_type3A_64 = arith.extui %lt3A_63 : i1 to i32
      %cond3A_65 = arith.constant 0 : i32
      %cond3A_66 = arith.cmpi ne, %convert_element_type3A_64, %cond3A_65 : i32
      scf.if %cond3A_66 {
        %add3A_73 = arith.constant 2 : i32
        %add3A_74 = arith.addi %mul3A_44, %add3A_73 : i32
        %dma_start3A_75 = arith.constant 0 : i32
        %dma_start3A_76 = tpu.memref_slice %arg7[%add3A_74, %dma_start3A_75] : memref<40x125xi32, #tpu.memory_space<vmem>> -> memref<1x125xi32, #tpu.memory_space<vmem>>
        %dma_start3A_77 = tpu.memref_squeeze %dma_start3A_76 : memref<1x125xi32, #tpu.memory_space<vmem>> -> memref<125xi32, #tpu.memory_space<vmem>>
        %dma_start3A_78 = arith.constant 0 : i32
        %dma_start3A_79 = arith.constant 0 : i32
        %dma_start3A_80 = tpu.memref_slice %arg2[%dma_start3A_78, %dma_start3A_79] : memref<10000x128xf32, #tpu.memory_space<hbm>> -> memref<10000x128xf32, #tpu.memory_space<hbm>>
        tpu.enqueue_indirect_dma source(%dma_start3A_80 : memref<10000x128xf32, #tpu.memory_space<hbm>>) target(%arg9 : memref<125x128xf32, #tpu.memory_space<vmem>>) offsets(%dma_start3A_77 : memref<125xi32, #tpu.memory_space<vmem>>) semaphore(%arg12 : memref<!tpu.dma_semaphore, #tpu.memory_space<semaphore_mem>>)
      } else {
      }
      %dma_wait3A_67 = arith.constant 0 : i32
      %dma_wait3A_68 = tpu.memref_slice %arg7[%add3A_48, %dma_wait3A_67] : memref<40x125xi32, #tpu.memory_space<vmem>> -> memref<1x125xi32, #tpu.memory_space<vmem>>
      %dma_wait3A_69 = tpu.memref_squeeze %dma_wait3A_68 : memref<1x125xi32, #tpu.memory_space<vmem>> -> memref<125xi32, #tpu.memory_space<vmem>>
      %dma_wait3A_70 = arith.constant 0 : i32
      %dma_wait3A_71 = arith.constant 0 : i32
      %dma_wait3A_72 = tpu.memref_slice %arg2[%dma_wait3A_70, %dma_wait3A_71] : memref<10000x128xf32, #tpu.memory_space<hbm>> -> memref<10000x128xf32, #tpu.memory_space<hbm>>
      tpu.wait_indirect_dma semaphore(%arg13 : memref<!tpu.dma_semaphore, #tpu.memory_space<semaphore_mem>>) src(%dma_wait3A_72 : memref<10000x128xf32, #tpu.memory_space<hbm>>) dst(%arg10 : memref<125x128xf32, #tpu.memory_space<vmem>>)
      "tpu.region"() ({
        %run_scoped3A = tpu.sem_alloc : memref<!tpu.dma_semaphore, #tpu.memory_space<semaphore_mem>>
        %dma_start3A_73 = arith.constant 0 : i32
        %dma_start3A_74 = tpu.memref_slice %arg8[%add3A_48, %dma_start3A_73] : memref<40x125xi32, #tpu.memory_space<vmem>> -> memref<1x125xi32, #tpu.memory_space<vmem>>
        %dma_start3A_75 = tpu.memref_squeeze %dma_start3A_74 : memref<1x125xi32, #tpu.memory_space<vmem>> -> memref<125xi32, #tpu.memory_space<vmem>>
        %dma_start3A_76 = arith.constant 0 : i32
        %dma_start3A_77 = arith.constant 0 : i32
        %dma_start3A_78 = tpu.memref_slice %arg11[%dma_start3A_76, %dma_start3A_77] : memref<10000x128xf32, #tpu.memory_space<vmem_shared>> -> memref<10000x128xf32, #tpu.memory_space<vmem_shared>>
        tpu.enqueue_indirect_dma source(%arg10 : memref<125x128xf32, #tpu.memory_space<vmem>>) target(%dma_start3A_78 : memref<10000x128xf32, #tpu.memory_space<vmem_shared>>) offsets(%dma_start3A_75 : memref<125xi32, #tpu.memory_space<vmem>>) semaphore(%run_scoped3A : memref<!tpu.dma_semaphore, #tpu.memory_space<semaphore_mem>>) {add = true}
        %dma_wait3A_79 = arith.constant 0 : i32
        %dma_wait3A_80 = tpu.memref_slice %arg8[%add3A_48, %dma_wait3A_79] : memref<40x125xi32, #tpu.memory_space<vmem>> -> memref<1x125xi32, #tpu.memory_space<vmem>>
        %dma_wait3A_81 = tpu.memref_squeeze %dma_wait3A_80 : memref<1x125xi32, #tpu.memory_space<vmem>> -> memref<125xi32, #tpu.memory_space<vmem>>
        %dma_wait3A_82 = arith.constant 0 : i32
        %dma_wait3A_83 = arith.constant 0 : i32
        %dma_wait3A_84 = tpu.memref_slice %arg11[%dma_wait3A_82, %dma_wait3A_83] : memref<10000x128xf32, #tpu.memory_space<vmem_shared>> -> memref<10000x128xf32, #tpu.memory_space<vmem_shared>>
        tpu.wait_indirect_dma semaphore(%run_scoped3A : memref<!tpu.dma_semaphore, #tpu.memory_space<semaphore_mem>>) src(%arg10 : memref<125x128xf32, #tpu.memory_space<vmem>>) dst(%dma_wait3A_84 : memref<10000x128xf32, #tpu.memory_space<vmem_shared>>)
        tpu.yield
      }) : () -> ()
    }
    %scan3A_22 = arith.constant 20 : i32
    "tpu.region"() ({
      %run_scoped3A = tpu.sem_alloc : memref<!tpu.dma_semaphore, #tpu.memory_space<semaphore_mem>>
      %dma_start3A_42 = arith.constant 40 : i32
      %dma_start3A_43 = arith.constant 0 : i32
      %dma_start3A_44 = tpu.memref_slice %arg3[%add3A, %dma_start3A_42, %dma_start3A_43] : memref<32x80x125xi32, #tpu.memory_space<hbm>> -> memref<1x40x125xi32, #tpu.memory_space<hbm>>
      %dma_start3A_45 = tpu.memref_squeeze %dma_start3A_44 : memref<1x40x125xi32, #tpu.memory_space<hbm>> -> memref<40x125xi32, #tpu.memory_space<hbm>>
      %dma_start3A_46 = arith.constant 40 : i32
      %dma_start3A_47 = arith.constant 0 : i32
      %dma_start3A_48 = tpu.memref_slice %arg3[%add3A, %dma_start3A_46, %dma_start3A_47] : memref<32x80x125xi32, #tpu.memory_space<hbm>> -> memref<1x40x125xi32, #tpu.memory_space<hbm>>
      %dma_start3A_49 = tpu.memref_squeeze %dma_start3A_48 : memref<1x40x125xi32, #tpu.memory_space<hbm>> -> memref<40x125xi32, #tpu.memory_space<hbm>>
      tpu.enqueue_dma source(%dma_start3A_49 : memref<40x125xi32, #tpu.memory_space<hbm>>) target(%arg7 : memref<40x125xi32, #tpu.memory_space<vmem>>) target_semaphore(%run_scoped3A : memref<!tpu.dma_semaphore, #tpu.memory_space<semaphore_mem>>)
      %dma_wait3A = arith.constant 40 : i32
      %dma_wait3A_50 = arith.constant 0 : i32
      %dma_wait3A_51 = tpu.memref_slice %arg3[%add3A, %dma_wait3A, %dma_wait3A_50] : memref<32x80x125xi32, #tpu.memory_space<hbm>> -> memref<1x40x125xi32, #tpu.memory_space<hbm>>
      %dma_wait3A_52 = tpu.memref_squeeze %dma_wait3A_51 : memref<1x40x125xi32, #tpu.memory_space<hbm>> -> memref<40x125xi32, #tpu.memory_space<hbm>>
      %dma_wait3A_53 = arith.constant 40 : i32
      %dma_wait3A_54 = arith.constant 0 : i32
      %dma_wait3A_55 = tpu.memref_slice %arg3[%add3A, %dma_wait3A_53, %dma_wait3A_54] : memref<32x80x125xi32, #tpu.memory_space<hbm>> -> memref<1x40x125xi32, #tpu.memory_space<hbm>>
      %dma_wait3A_56 = tpu.memref_squeeze %dma_wait3A_55 : memref<1x40x125xi32, #tpu.memory_space<hbm>> -> memref<40x125xi32, #tpu.memory_space<hbm>>
      tpu.wait_dma2 semaphore(%run_scoped3A : memref<!tpu.dma_semaphore, #tpu.memory_space<semaphore_mem>>) src(%dma_wait3A_56 : memref<40x125xi32, #tpu.memory_space<hbm>>) dst(%arg7 : memref<40x125xi32, #tpu.memory_space<vmem>>)
      tpu.yield
    }) : () -> ()
    "tpu.region"() ({
      %run_scoped3A = tpu.sem_alloc : memref<!tpu.dma_semaphore, #tpu.memory_space<semaphore_mem>>
      %dma_start3A_42 = arith.constant 40 : i32
      %dma_start3A_43 = arith.constant 0 : i32
      %dma_start3A_44 = tpu.memref_slice %arg4[%add3A, %dma_start3A_42, %dma_start3A_43] : memref<32x80x125xi32, #tpu.memory_space<hbm>> -> memref<1x40x125xi32, #tpu.memory_space<hbm>>
      %dma_start3A_45 = tpu.memref_squeeze %dma_start3A_44 : memref<1x40x125xi32, #tpu.memory_space<hbm>> -> memref<40x125xi32, #tpu.memory_space<hbm>>
      %dma_start3A_46 = arith.constant 40 : i32
      %dma_start3A_47 = arith.constant 0 : i32
      %dma_start3A_48 = tpu.memref_slice %arg4[%add3A, %dma_start3A_46, %dma_start3A_47] : memref<32x80x125xi32, #tpu.memory_space<hbm>> -> memref<1x40x125xi32, #tpu.memory_space<hbm>>
      %dma_start3A_49 = tpu.memref_squeeze %dma_start3A_48 : memref<1x40x125xi32, #tpu.memory_space<hbm>> -> memref<40x125xi32, #tpu.memory_space<hbm>>
      tpu.enqueue_dma source(%dma_start3A_49 : memref<40x125xi32, #tpu.memory_space<hbm>>) target(%arg8 : memref<40x125xi32, #tpu.memory_space<vmem>>) target_semaphore(%run_scoped3A : memref<!tpu.dma_semaphore, #tpu.memory_space<semaphore_mem>>)
      %dma_wait3A = arith.constant 40 : i32
      %dma_wait3A_50 = arith.constant 0 : i32
      %dma_wait3A_51 = tpu.memref_slice %arg4[%add3A, %dma_wait3A, %dma_wait3A_50] : memref<32x80x125xi32, #tpu.memory_space<hbm>> -> memref<1x40x125xi32, #tpu.memory_space<hbm>>
      %dma_wait3A_52 = tpu.memref_squeeze %dma_wait3A_51 : memref<1x40x125xi32, #tpu.memory_space<hbm>> -> memref<40x125xi32, #tpu.memory_space<hbm>>
      %dma_wait3A_53 = arith.constant 40 : i32
      %dma_wait3A_54 = arith.constant 0 : i32
      %dma_wait3A_55 = tpu.memref_slice %arg4[%add3A, %dma_wait3A_53, %dma_wait3A_54] : memref<32x80x125xi32, #tpu.memory_space<hbm>> -> memref<1x40x125xi32, #tpu.memory_space<hbm>>
      %dma_wait3A_56 = tpu.memref_squeeze %dma_wait3A_55 : memref<1x40x125xi32, #tpu.memory_space<hbm>> -> memref<40x125xi32, #tpu.memory_space<hbm>>
      tpu.wait_dma2 semaphore(%run_scoped3A : memref<!tpu.dma_semaphore, #tpu.memory_space<semaphore_mem>>) src(%dma_wait3A_56 : memref<40x125xi32, #tpu.memory_space<hbm>>) dst(%arg8 : memref<40x125xi32, #tpu.memory_space<vmem>>)
      tpu.yield
    }) : () -> ()
    %dma_start3A_23 = arith.constant 0 : i32
    %dma_start3A_24 = arith.constant 0 : i32
    %dma_start3A_25 = tpu.memref_slice %arg7[%dma_start3A_23, %dma_start3A_24] : memref<40x125xi32, #tpu.memory_space<vmem>> -> memref<1x125xi32, #tpu.memory_space<vmem>>
    %dma_start3A_26 = tpu.memref_squeeze %dma_start3A_25 : memref<1x125xi32, #tpu.memory_space<vmem>> -> memref<125xi32, #tpu.memory_space<vmem>>
    %dma_start3A_27 = arith.constant 0 : i32
    %dma_start3A_28 = arith.constant 0 : i32
    %dma_start3A_29 = tpu.memref_slice %arg2[%dma_start3A_27, %dma_start3A_28] : memref<10000x128xf32, #tpu.memory_space<hbm>> -> memref<10000x128xf32, #tpu.memory_space<hbm>>
    tpu.enqueue_indirect_dma source(%dma_start3A_29 : memref<10000x128xf32, #tpu.memory_space<hbm>>) target(%arg9 : memref<125x128xf32, #tpu.memory_space<vmem>>) offsets(%dma_start3A_26 : memref<125xi32, #tpu.memory_space<vmem>>) semaphore(%arg12 : memref<!tpu.dma_semaphore, #tpu.memory_space<semaphore_mem>>)
    %scan3A_30 = arith.constant 0 : i32
    %scan3A_31 = arith.constant 0 : i32
    %scan3A_32 = arith.constant 20 : i32
    %scan3A_33 = arith.addi %scan3A_31, %scan3A_32 : i32
    %scan3A_34 = arith.constant 1 : i32
    scf.for %scan3A_42 = %scan3A_31 to %scan3A_33 step %scan3A_34  : i32 {
      %mul3A_43 = arith.constant 2 : i32
      %mul3A_44 = arith.muli %mul3A_43, %scan3A_42 : i32
      %mul3A_45 = arith.constant 2 : i32
      %mul3A_46 = arith.muli %mul3A_45, %scan3A_42 : i32
      %add3A_47 = arith.constant 1 : i32
      %add3A_48 = arith.addi %mul3A_46, %add3A_47 : i32
      %dma_start3A_49 = arith.constant 0 : i32
      %dma_start3A_50 = tpu.memref_slice %arg7[%add3A_48, %dma_start3A_49] : memref<40x125xi32, #tpu.memory_space<vmem>> -> memref<1x125xi32, #tpu.memory_space<vmem>>
      %dma_start3A_51 = tpu.memref_squeeze %dma_start3A_50 : memref<1x125xi32, #tpu.memory_space<vmem>> -> memref<125xi32, #tpu.memory_space<vmem>>
      %dma_start3A_52 = arith.constant 0 : i32
      %dma_start3A_53 = arith.constant 0 : i32
      %dma_start3A_54 = tpu.memref_slice %arg2[%dma_start3A_52, %dma_start3A_53] : memref<10000x128xf32, #tpu.memory_space<hbm>> -> memref<10000x128xf32, #tpu.memory_space<hbm>>
      tpu.enqueue_indirect_dma source(%dma_start3A_54 : memref<10000x128xf32, #tpu.memory_space<hbm>>) target(%arg10 : memref<125x128xf32, #tpu.memory_space<vmem>>) offsets(%dma_start3A_51 : memref<125xi32, #tpu.memory_space<vmem>>) semaphore(%arg13 : memref<!tpu.dma_semaphore, #tpu.memory_space<semaphore_mem>>)
      %dma_wait3A = arith.constant 0 : i32
      %dma_wait3A_55 = tpu.memref_slice %arg7[%mul3A_44, %dma_wait3A] : memref<40x125xi32, #tpu.memory_space<vmem>> -> memref<1x125xi32, #tpu.memory_space<vmem>>
      %dma_wait3A_56 = tpu.memref_squeeze %dma_wait3A_55 : memref<1x125xi32, #tpu.memory_space<vmem>> -> memref<125xi32, #tpu.memory_space<vmem>>
      %dma_wait3A_57 = arith.constant 0 : i32
      %dma_wait3A_58 = arith.constant 0 : i32
      %dma_wait3A_59 = tpu.memref_slice %arg2[%dma_wait3A_57, %dma_wait3A_58] : memref<10000x128xf32, #tpu.memory_space<hbm>> -> memref<10000x128xf32, #tpu.memory_space<hbm>>
      tpu.wait_indirect_dma semaphore(%arg12 : memref<!tpu.dma_semaphore, #tpu.memory_space<semaphore_mem>>) src(%dma_wait3A_59 : memref<10000x128xf32, #tpu.memory_space<hbm>>) dst(%arg9 : memref<125x128xf32, #tpu.memory_space<vmem>>)
      "tpu.region"() ({
        %run_scoped3A = tpu.sem_alloc : memref<!tpu.dma_semaphore, #tpu.memory_space<semaphore_mem>>
        %dma_start3A_73 = arith.constant 0 : i32
        %dma_start3A_74 = tpu.memref_slice %arg8[%mul3A_44, %dma_start3A_73] : memref<40x125xi32, #tpu.memory_space<vmem>> -> memref<1x125xi32, #tpu.memory_space<vmem>>
        %dma_start3A_75 = tpu.memref_squeeze %dma_start3A_74 : memref<1x125xi32, #tpu.memory_space<vmem>> -> memref<125xi32, #tpu.memory_space<vmem>>
        %dma_start3A_76 = arith.constant 0 : i32
        %dma_start3A_77 = arith.constant 0 : i32
        %dma_start3A_78 = tpu.memref_slice %arg11[%dma_start3A_76, %dma_start3A_77] : memref<10000x128xf32, #tpu.memory_space<vmem_shared>> -> memref<10000x128xf32, #tpu.memory_space<vmem_shared>>
        tpu.enqueue_indirect_dma source(%arg9 : memref<125x128xf32, #tpu.memory_space<vmem>>) target(%dma_start3A_78 : memref<10000x128xf32, #tpu.memory_space<vmem_shared>>) offsets(%dma_start3A_75 : memref<125xi32, #tpu.memory_space<vmem>>) semaphore(%run_scoped3A : memref<!tpu.dma_semaphore, #tpu.memory_space<semaphore_mem>>) {add = true}
        %dma_wait3A_79 = arith.constant 0 : i32
        %dma_wait3A_80 = tpu.memref_slice %arg8[%mul3A_44, %dma_wait3A_79] : memref<40x125xi32, #tpu.memory_space<vmem>> -> memref<1x125xi32, #tpu.memory_space<vmem>>
        %dma_wait3A_81 = tpu.memref_squeeze %dma_wait3A_80 : memref<1x125xi32, #tpu.memory_space<vmem>> -> memref<125xi32, #tpu.memory_space<vmem>>
        %dma_wait3A_82 = arith.constant 0 : i32
        %dma_wait3A_83 = arith.constant 0 : i32
        %dma_wait3A_84 = tpu.memref_slice %arg11[%dma_wait3A_82, %dma_wait3A_83] : memref<10000x128xf32, #tpu.memory_space<vmem_shared>> -> memref<10000x128xf32, #tpu.memory_space<vmem_shared>>
        tpu.wait_indirect_dma semaphore(%run_scoped3A : memref<!tpu.dma_semaphore, #tpu.memory_space<semaphore_mem>>) src(%arg9 : memref<125x128xf32, #tpu.memory_space<vmem>>) dst(%dma_wait3A_84 : memref<10000x128xf32, #tpu.memory_space<vmem_shared>>)
        tpu.yield
      }) : () -> ()
      %add3A_60 = arith.constant 1 : i32
      %add3A_61 = arith.addi %scan3A_42, %add3A_60 : i32
      %lt3A_62 = arith.constant 20 : i32
      %lt3A_63 = arith.cmpi slt, %add3A_61, %lt3A_62 : i32
      %convert_element_type3A_64 = arith.extui %lt3A_63 : i1 to i32
      %cond3A_65 = arith.constant 0 : i32
      %cond3A_66 = arith.cmpi ne, %convert_element_type3A_64, %cond3A_65 : i32
      scf.if %cond3A_66 {
        %add3A_73 = arith.constant 2 : i32
        %add3A_74 = arith.addi %mul3A_44, %add3A_73 : i32
        %dma_start3A_75 = arith.constant 0 : i32
        %dma_start3A_76 = tpu.memref_slice %arg7[%add3A_74, %dma_start3A_75] : memref<40x125xi32, #tpu.memory_space<vmem>> -> memref<1x125xi32, #tpu.memory_space<vmem>>
        %dma_start3A_77 = tpu.memref_squeeze %dma_start3A_76 : memref<1x125xi32, #tpu.memory_space<vmem>> -> memref<125xi32, #tpu.memory_space<vmem>>
        %dma_start3A_78 = arith.constant 0 : i32
        %dma_start3A_79 = arith.constant 0 : i32
        %dma_start3A_80 = tpu.memref_slice %arg2[%dma_start3A_78, %dma_start3A_79] : memref<10000x128xf32, #tpu.memory_space<hbm>> -> memref<10000x128xf32, #tpu.memory_space<hbm>>
        tpu.enqueue_indirect_dma source(%dma_start3A_80 : memref<10000x128xf32, #tpu.memory_space<hbm>>) target(%arg9 : memref<125x128xf32, #tpu.memory_space<vmem>>) offsets(%dma_start3A_77 : memref<125xi32, #tpu.memory_space<vmem>>) semaphore(%arg12 : memref<!tpu.dma_semaphore, #tpu.memory_space<semaphore_mem>>)
      } else {
      }
      %dma_wait3A_67 = arith.constant 0 : i32
      %dma_wait3A_68 = tpu.memref_slice %arg7[%add3A_48, %dma_wait3A_67] : memref<40x125xi32, #tpu.memory_space<vmem>> -> memref<1x125xi32, #tpu.memory_space<vmem>>
      %dma_wait3A_69 = tpu.memref_squeeze %dma_wait3A_68 : memref<1x125xi32, #tpu.memory_space<vmem>> -> memref<125xi32, #tpu.memory_space<vmem>>
      %dma_wait3A_70 = arith.constant 0 : i32
      %dma_wait3A_71 = arith.constant 0 : i32
      %dma_wait3A_72 = tpu.memref_slice %arg2[%dma_wait3A_70, %dma_wait3A_71] : memref<10000x128xf32, #tpu.memory_space<hbm>> -> memref<10000x128xf32, #tpu.memory_space<hbm>>
      tpu.wait_indirect_dma semaphore(%arg13 : memref<!tpu.dma_semaphore, #tpu.memory_space<semaphore_mem>>) src(%dma_wait3A_72 : memref<10000x128xf32, #tpu.memory_space<hbm>>) dst(%arg10 : memref<125x128xf32, #tpu.memory_space<vmem>>)
      "tpu.region"() ({
        %run_scoped3A = tpu.sem_alloc : memref<!tpu.dma_semaphore, #tpu.memory_space<semaphore_mem>>
        %dma_start3A_73 = arith.constant 0 : i32
        %dma_start3A_74 = tpu.memref_slice %arg8[%add3A_48, %dma_start3A_73] : memref<40x125xi32, #tpu.memory_space<vmem>> -> memref<1x125xi32, #tpu.memory_space<vmem>>
        %dma_start3A_75 = tpu.memref_squeeze %dma_start3A_74 : memref<1x125xi32, #tpu.memory_space<vmem>> -> memref<125xi32, #tpu.memory_space<vmem>>
        %dma_start3A_76 = arith.constant 0 : i32
        %dma_start3A_77 = arith.constant 0 : i32
        %dma_start3A_78 = tpu.memref_slice %arg11[%dma_start3A_76, %dma_start3A_77] : memref<10000x128xf32, #tpu.memory_space<vmem_shared>> -> memref<10000x128xf32, #tpu.memory_space<vmem_shared>>
        tpu.enqueue_indirect_dma source(%arg10 : memref<125x128xf32, #tpu.memory_space<vmem>>) target(%dma_start3A_78 : memref<10000x128xf32, #tpu.memory_space<vmem_shared>>) offsets(%dma_start3A_75 : memref<125xi32, #tpu.memory_space<vmem>>) semaphore(%run_scoped3A : memref<!tpu.dma_semaphore, #tpu.memory_space<semaphore_mem>>) {add = true}
        %dma_wait3A_79 = arith.constant 0 : i32
        %dma_wait3A_80 = tpu.memref_slice %arg8[%add3A_48, %dma_wait3A_79] : memref<40x125xi32, #tpu.memory_space<vmem>> -> memref<1x125xi32, #tpu.memory_space<vmem>>
        %dma_wait3A_81 = tpu.memref_squeeze %dma_wait3A_80 : memref<1x125xi32, #tpu.memory_space<vmem>> -> memref<125xi32, #tpu.memory_space<vmem>>
        %dma_wait3A_82 = arith.constant 0 : i32
        %dma_wait3A_83 = arith.constant 0 : i32
        %dma_wait3A_84 = tpu.memref_slice %arg11[%dma_wait3A_82, %dma_wait3A_83] : memref<10000x128xf32, #tpu.memory_space<vmem_shared>> -> memref<10000x128xf32, #tpu.memory_space<vmem_shared>>
        tpu.wait_indirect_dma semaphore(%run_scoped3A : memref<!tpu.dma_semaphore, #tpu.memory_space<semaphore_mem>>) src(%arg10 : memref<125x128xf32, #tpu.memory_space<vmem>>) dst(%dma_wait3A_84 : memref<10000x128xf32, #tpu.memory_space<vmem_shared>>)
        tpu.yield
      }) : () -> ()
    }
    %scan3A_35 = arith.constant 20 : i32
    %barrier3A_36 = arith.constant 0 : index
    tpu.barrier barrier_id(%barrier3A_36)
    %lt3A_37 = arith.constant 10 : i32
    %lt3A_38 = arith.cmpi slt, %arg1, %lt3A_37 : i32
    %convert_element_type3A_39 = arith.extui %lt3A_38 : i1 to i32
    %cond3A_40 = arith.constant 0 : i32
    %cond3A_41 = arith.cmpi ne, %convert_element_type3A_39, %cond3A_40 : i32
    scf.if %cond3A_41 {
      %mul3A_42 = arith.constant 1000 : i32
      %mul3A_43 = arith.muli %arg1, %mul3A_42 : i32
      %mul3A_44 = arith.constant 1000 : i32
      %mul3A_45 = arith.muli %arg1, %mul3A_44 : i32
      "tpu.region"() ({
        %run_scoped3A = tpu.sem_alloc : memref<!tpu.dma_semaphore, #tpu.memory_space<semaphore_mem>>
        %dma_start3A_46 = arith.constant 0 : i32
        %dma_start3A_47 = tpu.memref_slice %arg6[%arg0, %mul3A_45, %dma_start3A_46] : memref<2x10000x128xf32, #tpu.memory_space<hbm>> -> memref<1x1000x128xf32, #tpu.memory_space<hbm>>
        %dma_start3A_48 = tpu.memref_squeeze %dma_start3A_47 : memref<1x1000x128xf32, #tpu.memory_space<hbm>> -> memref<1000x128xf32, #tpu.memory_space<hbm>>
        %dma_start3A_49 = arith.constant 0 : i32
        %dma_start3A_50 = tpu.memref_slice %arg11[%mul3A_43, %dma_start3A_49] : memref<10000x128xf32, #tpu.memory_space<vmem_shared>> -> memref<1000x128xf32, #tpu.memory_space<vmem_shared>>
        tpu.enqueue_dma source(%dma_start3A_50 : memref<1000x128xf32, #tpu.memory_space<vmem_shared>>) target(%dma_start3A_48 : memref<1000x128xf32, #tpu.memory_space<hbm>>) target_semaphore(%run_scoped3A : memref<!tpu.dma_semaphore, #tpu.memory_space<semaphore_mem>>)
        %dma_wait3A = arith.constant 0 : i32
        %dma_wait3A_51 = tpu.memref_slice %arg6[%arg0, %mul3A_45, %dma_wait3A] : memref<2x10000x128xf32, #tpu.memory_space<hbm>> -> memref<1x1000x128xf32, #tpu.memory_space<hbm>>
        %dma_wait3A_52 = tpu.memref_squeeze %dma_wait3A_51 : memref<1x1000x128xf32, #tpu.memory_space<hbm>> -> memref<1000x128xf32, #tpu.memory_space<hbm>>
        %dma_wait3A_53 = arith.constant 0 : i32
        %dma_wait3A_54 = tpu.memref_slice %arg11[%mul3A_43, %dma_wait3A_53] : memref<10000x128xf32, #tpu.memory_space<vmem_shared>> -> memref<1000x128xf32, #tpu.memory_space<vmem_shared>>
        tpu.wait_dma2 semaphore(%run_scoped3A : memref<!tpu.dma_semaphore, #tpu.memory_space<semaphore_mem>>) src(%dma_wait3A_54 : memref<1000x128xf32, #tpu.memory_space<vmem_shared>>) dst(%dma_wait3A_52 : memref<1000x128xf32, #tpu.memory_space<hbm>>)
        tpu.yield
      }) : () -> ()
    } else {
    }
    return
  }
}

#map = affine_map<(d0, d1) -> (0, 0, 0)>
#map1 = affine_map<(d0, d1) -> (0, 0)>
module attributes {stable_mosaic.version = 14 : i64} {
  func.func @_deg_body(%arg0: i32, %arg1: i32, %arg2: memref<32x79x128xi32, #tpu.memory_space<hbm>>, %arg3: memref<1x81xi32, #tpu.memory_space<hbm>>, %arg4: memref<81x128xf32, #tpu.memory_space<hbm>>, %arg5: memref<2x81x128xf32, #tpu.memory_space<hbm>>, %arg6: memref<79x128xi32, #tpu.memory_space<vmem>>, %arg7: memref<81x128xf32, #tpu.memory_space<vmem>>, %arg8: memref<1x81xi32, #tpu.memory_space<vmem>>, %arg9: memref<81x128xf32, #tpu.memory_space<vmem_shared>>) attributes {dimension_semantics = [#tpu.dimension_semantics<core_parallel>, #tpu.dimension_semantics<subcore_parallel>], iteration_bounds = array<i64: 2, 16>, scalar_prefetch = 0 : i64, scratch_operands = 4 : i64, tpu.core_type = #tpu.core_type<sc_vector_subcore>, window_params = [{transform_indices = #map}, {transform_indices = #map1}, {transform_indices = #map1}, {transform_indices = #map}]} {
    %mul3A = arith.constant 16 : i32
    %mul3A_0 = arith.muli %arg0, %mul3A : i32
    %add3A = arith.addi %mul3A_0, %arg1 : i32
    "tpu.region"() ({
      %run_scoped3A_14 = tpu.sem_alloc : memref<!tpu.dma_semaphore, #tpu.memory_space<semaphore_mem>>
      tpu.enqueue_dma source(%arg4 : memref<81x128xf32, #tpu.memory_space<hbm>>) target(%arg7 : memref<81x128xf32, #tpu.memory_space<vmem>>) target_semaphore(%run_scoped3A_14 : memref<!tpu.dma_semaphore, #tpu.memory_space<semaphore_mem>>)
      tpu.wait_dma2 semaphore(%run_scoped3A_14 : memref<!tpu.dma_semaphore, #tpu.memory_space<semaphore_mem>>) src(%arg4 : memref<81x128xf32, #tpu.memory_space<hbm>>) dst(%arg7 : memref<81x128xf32, #tpu.memory_space<vmem>>)
      tpu.yield
    }) : () -> ()
    %eq3A = arith.constant 0 : i32
    %eq3A_1 = arith.cmpi eq, %arg1, %eq3A : i32
    %convert_element_type3A = arith.extui %eq3A_1 : i1 to i32
    %cond3A = arith.constant 0 : i32
    %cond3A_2 = arith.cmpi ne, %convert_element_type3A, %cond3A : i32
    scf.if %cond3A_2 {
      "tpu.region"() ({
        %run_scoped3A_14 = tpu.sem_alloc : memref<!tpu.dma_semaphore, #tpu.memory_space<semaphore_mem>>
        tpu.enqueue_dma source(%arg4 : memref<81x128xf32, #tpu.memory_space<hbm>>) target(%arg9 : memref<81x128xf32, #tpu.memory_space<vmem_shared>>) target_semaphore(%run_scoped3A_14 : memref<!tpu.dma_semaphore, #tpu.memory_space<semaphore_mem>>)
        tpu.wait_dma2 semaphore(%run_scoped3A_14 : memref<!tpu.dma_semaphore, #tpu.memory_space<semaphore_mem>>) src(%arg4 : memref<81x128xf32, #tpu.memory_space<hbm>>) dst(%arg9 : memref<81x128xf32, #tpu.memory_space<vmem_shared>>)
        tpu.yield
      }) : () -> ()
    } else {
    }
    "tpu.region"() ({
      %run_scoped3A_14 = tpu.sem_alloc : memref<!tpu.dma_semaphore, #tpu.memory_space<semaphore_mem>>
      tpu.enqueue_dma source(%arg3 : memref<1x81xi32, #tpu.memory_space<hbm>>) target(%arg8 : memref<1x81xi32, #tpu.memory_space<vmem>>) target_semaphore(%run_scoped3A_14 : memref<!tpu.dma_semaphore, #tpu.memory_space<semaphore_mem>>)
      tpu.wait_dma2 semaphore(%run_scoped3A_14 : memref<!tpu.dma_semaphore, #tpu.memory_space<semaphore_mem>>) src(%arg3 : memref<1x81xi32, #tpu.memory_space<hbm>>) dst(%arg8 : memref<1x81xi32, #tpu.memory_space<vmem>>)
      tpu.yield
    }) : () -> ()
    "tpu.region"() ({
      %run_scoped3A_14 = tpu.sem_alloc : memref<!tpu.dma_semaphore, #tpu.memory_space<semaphore_mem>>
      %dma_start3A = arith.constant 0 : i32
      %dma_start3A_15 = arith.constant 0 : i32
      %dma_start3A_16 = tpu.memref_slice %arg2[%add3A, %dma_start3A, %dma_start3A_15] : memref<32x79x128xi32, #tpu.memory_space<hbm>> -> memref<1x79x128xi32, #tpu.memory_space<hbm>>
      %dma_start3A_17 = tpu.memref_squeeze %dma_start3A_16 : memref<1x79x128xi32, #tpu.memory_space<hbm>> -> memref<79x128xi32, #tpu.memory_space<hbm>>
      %dma_start3A_18 = arith.constant 0 : i32
      %dma_start3A_19 = arith.constant 0 : i32
      %dma_start3A_20 = tpu.memref_slice %arg2[%add3A, %dma_start3A_18, %dma_start3A_19] : memref<32x79x128xi32, #tpu.memory_space<hbm>> -> memref<1x79x128xi32, #tpu.memory_space<hbm>>
      %dma_start3A_21 = tpu.memref_squeeze %dma_start3A_20 : memref<1x79x128xi32, #tpu.memory_space<hbm>> -> memref<79x128xi32, #tpu.memory_space<hbm>>
      tpu.enqueue_dma source(%dma_start3A_21 : memref<79x128xi32, #tpu.memory_space<hbm>>) target(%arg6 : memref<79x128xi32, #tpu.memory_space<vmem>>) target_semaphore(%run_scoped3A_14 : memref<!tpu.dma_semaphore, #tpu.memory_space<semaphore_mem>>)
      %dma_wait3A = arith.constant 0 : i32
      %dma_wait3A_22 = arith.constant 0 : i32
      %dma_wait3A_23 = tpu.memref_slice %arg2[%add3A, %dma_wait3A, %dma_wait3A_22] : memref<32x79x128xi32, #tpu.memory_space<hbm>> -> memref<1x79x128xi32, #tpu.memory_space<hbm>>
      %dma_wait3A_24 = tpu.memref_squeeze %dma_wait3A_23 : memref<1x79x128xi32, #tpu.memory_space<hbm>> -> memref<79x128xi32, #tpu.memory_space<hbm>>
      %dma_wait3A_25 = arith.constant 0 : i32
      %dma_wait3A_26 = arith.constant 0 : i32
      %dma_wait3A_27 = tpu.memref_slice %arg2[%add3A, %dma_wait3A_25, %dma_wait3A_26] : memref<32x79x128xi32, #tpu.memory_space<hbm>> -> memref<1x79x128xi32, #tpu.memory_space<hbm>>
      %dma_wait3A_28 = tpu.memref_squeeze %dma_wait3A_27 : memref<1x79x128xi32, #tpu.memory_space<hbm>> -> memref<79x128xi32, #tpu.memory_space<hbm>>
      tpu.wait_dma2 semaphore(%run_scoped3A_14 : memref<!tpu.dma_semaphore, #tpu.memory_space<semaphore_mem>>) src(%dma_wait3A_28 : memref<79x128xi32, #tpu.memory_space<hbm>>) dst(%arg6 : memref<79x128xi32, #tpu.memory_space<vmem>>)
      tpu.yield
    }) : () -> ()
    %scan3A = arith.constant 0 : i32
    %scan3A_3 = arith.constant 0 : i32
    %scan3A_4 = arith.constant 79 : i32
    %scan3A_5 = arith.addi %scan3A_3, %scan3A_4 : i32
    %scan3A_6 = arith.constant 1 : i32
    scf.for %scan3A_14 = %scan3A_3 to %scan3A_5 step %scan3A_6  : i32 {
      %get3A = arith.index_cast %scan3A_14 : i32 to index
      %get3A_15 = arith.constant 0 : index
      %get3A_16 = tpu.vector_load %arg6[%get3A, %get3A_15] {strides = array<i32>} : memref<79x128xi32, #tpu.memory_space<vmem>>, vector<16xi32>,
      %shift_right_logical3A = arith.constant 7 : i32
      %shift_right_logical3A_17 = vector.broadcast %shift_right_logical3A : i32 to vector<16xi32>
      %shift_right_logical3A_18 = arith.shrui %get3A_16, %shift_right_logical3A_17 : vector<16xi32>
      %and3A = arith.constant 127 : i32
      %and3A_19 = vector.broadcast %and3A : i32 to vector<16xi32>
      %and3A_20 = arith.andi %get3A_16, %and3A_19 : vector<16xi32>
      %broadcast_in_dim3A = arith.constant 1.000000e+00 : f32
      %broadcast_in_dim3A_21 = vector.broadcast %broadcast_in_dim3A : f32 to vector<16xf32>
      tpu.vector_store_idx %arg7[%shift_right_logical3A_18, %and3A_20], %broadcast_in_dim3A_21 {add = true} : memref<81x128xf32, #tpu.memory_space<vmem>>[vector<16xi32>, vector<16xi32>], vector<16xf32>,
      %get3A_22 = arith.index_cast %scan3A_14 : i32 to index
      %get3A_23 = arith.constant 16 : index
      %get3A_24 = tpu.vector_load %arg6[%get3A_22, %get3A_23] {strides = array<i32>} : memref<79x128xi32, #tpu.memory_space<vmem>>, vector<16xi32>,
      %shift_right_logical3A_25 = arith.constant 7 : i32
      %shift_right_logical3A_26 = vector.broadcast %shift_right_logical3A_25 : i32 to vector<16xi32>
      %shift_right_logical3A_27 = arith.shrui %get3A_24, %shift_right_logical3A_26 : vector<16xi32>
      %and3A_28 = arith.constant 127 : i32
      %and3A_29 = vector.broadcast %and3A_28 : i32 to vector<16xi32>
      %and3A_30 = arith.andi %get3A_24, %and3A_29 : vector<16xi32>
      %broadcast_in_dim3A_31 = arith.constant 1.000000e+00 : f32
      %broadcast_in_dim3A_32 = vector.broadcast %broadcast_in_dim3A_31 : f32 to vector<16xf32>
      tpu.vector_store_idx %arg7[%shift_right_logical3A_27, %and3A_30], %broadcast_in_dim3A_32 {add = true} : memref<81x128xf32, #tpu.memory_space<vmem>>[vector<16xi32>, vector<16xi32>], vector<16xf32>,
      %get3A_33 = arith.index_cast %scan3A_14 : i32 to index
      %get3A_34 = arith.constant 32 : index
      %get3A_35 = tpu.vector_load %arg6[%get3A_33, %get3A_34] {strides = array<i32>} : memref<79x128xi32, #tpu.memory_space<vmem>>, vector<16xi32>,
      %shift_right_logical3A_36 = arith.constant 7 : i32
      %shift_right_logical3A_37 = vector.broadcast %shift_right_logical3A_36 : i32 to vector<16xi32>
      %shift_right_logical3A_38 = arith.shrui %get3A_35, %shift_right_logical3A_37 : vector<16xi32>
      %and3A_39 = arith.constant 127 : i32
      %and3A_40 = vector.broadcast %and3A_39 : i32 to vector<16xi32>
      %and3A_41 = arith.andi %get3A_35, %and3A_40 : vector<16xi32>
      %broadcast_in_dim3A_42 = arith.constant 1.000000e+00 : f32
      %broadcast_in_dim3A_43 = vector.broadcast %broadcast_in_dim3A_42 : f32 to vector<16xf32>
      tpu.vector_store_idx %arg7[%shift_right_logical3A_38, %and3A_41], %broadcast_in_dim3A_43 {add = true} : memref<81x128xf32, #tpu.memory_space<vmem>>[vector<16xi32>, vector<16xi32>], vector<16xf32>,
      %get3A_44 = arith.index_cast %scan3A_14 : i32 to index
      %get3A_45 = arith.constant 48 : index
      %get3A_46 = tpu.vector_load %arg6[%get3A_44, %get3A_45] {strides = array<i32>} : memref<79x128xi32, #tpu.memory_space<vmem>>, vector<16xi32>,
      %shift_right_logical3A_47 = arith.constant 7 : i32
      %shift_right_logical3A_48 = vector.broadcast %shift_right_logical3A_47 : i32 to vector<16xi32>
      %shift_right_logical3A_49 = arith.shrui %get3A_46, %shift_right_logical3A_48 : vector<16xi32>
      %and3A_50 = arith.constant 127 : i32
      %and3A_51 = vector.broadcast %and3A_50 : i32 to vector<16xi32>
      %and3A_52 = arith.andi %get3A_46, %and3A_51 : vector<16xi32>
      %broadcast_in_dim3A_53 = arith.constant 1.000000e+00 : f32
      %broadcast_in_dim3A_54 = vector.broadcast %broadcast_in_dim3A_53 : f32 to vector<16xf32>
      tpu.vector_store_idx %arg7[%shift_right_logical3A_49, %and3A_52], %broadcast_in_dim3A_54 {add = true} : memref<81x128xf32, #tpu.memory_space<vmem>>[vector<16xi32>, vector<16xi32>], vector<16xf32>,
      %get3A_55 = arith.index_cast %scan3A_14 : i32 to index
      %get3A_56 = arith.constant 64 : index
      %get3A_57 = tpu.vector_load %arg6[%get3A_55, %get3A_56] {strides = array<i32>} : memref<79x128xi32, #tpu.memory_space<vmem>>, vector<16xi32>,
      %shift_right_logical3A_58 = arith.constant 7 : i32
      %shift_right_logical3A_59 = vector.broadcast %shift_right_logical3A_58 : i32 to vector<16xi32>
      %shift_right_logical3A_60 = arith.shrui %get3A_57, %shift_right_logical3A_59 : vector<16xi32>
      %and3A_61 = arith.constant 127 : i32
      %and3A_62 = vector.broadcast %and3A_61 : i32 to vector<16xi32>
      %and3A_63 = arith.andi %get3A_57, %and3A_62 : vector<16xi32>
      %broadcast_in_dim3A_64 = arith.constant 1.000000e+00 : f32
      %broadcast_in_dim3A_65 = vector.broadcast %broadcast_in_dim3A_64 : f32 to vector<16xf32>
      tpu.vector_store_idx %arg7[%shift_right_logical3A_60, %and3A_63], %broadcast_in_dim3A_65 {add = true} : memref<81x128xf32, #tpu.memory_space<vmem>>[vector<16xi32>, vector<16xi32>], vector<16xf32>,
      %get3A_66 = arith.index_cast %scan3A_14 : i32 to index
      %get3A_67 = arith.constant 80 : index
      %get3A_68 = tpu.vector_load %arg6[%get3A_66, %get3A_67] {strides = array<i32>} : memref<79x128xi32, #tpu.memory_space<vmem>>, vector<16xi32>,
      %shift_right_logical3A_69 = arith.constant 7 : i32
      %shift_right_logical3A_70 = vector.broadcast %shift_right_logical3A_69 : i32 to vector<16xi32>
      %shift_right_logical3A_71 = arith.shrui %get3A_68, %shift_right_logical3A_70 : vector<16xi32>
      %and3A_72 = arith.constant 127 : i32
      %and3A_73 = vector.broadcast %and3A_72 : i32 to vector<16xi32>
      %and3A_74 = arith.andi %get3A_68, %and3A_73 : vector<16xi32>
      %broadcast_in_dim3A_75 = arith.constant 1.000000e+00 : f32
      %broadcast_in_dim3A_76 = vector.broadcast %broadcast_in_dim3A_75 : f32 to vector<16xf32>
      tpu.vector_store_idx %arg7[%shift_right_logical3A_71, %and3A_74], %broadcast_in_dim3A_76 {add = true} : memref<81x128xf32, #tpu.memory_space<vmem>>[vector<16xi32>, vector<16xi32>], vector<16xf32>,
      %get3A_77 = arith.index_cast %scan3A_14 : i32 to index
      %get3A_78 = arith.constant 96 : index
      %get3A_79 = tpu.vector_load %arg6[%get3A_77, %get3A_78] {strides = array<i32>} : memref<79x128xi32, #tpu.memory_space<vmem>>, vector<16xi32>,
      %shift_right_logical3A_80 = arith.constant 7 : i32
      %shift_right_logical3A_81 = vector.broadcast %shift_right_logical3A_80 : i32 to vector<16xi32>
      %shift_right_logical3A_82 = arith.shrui %get3A_79, %shift_right_logical3A_81 : vector<16xi32>
      %and3A_83 = arith.constant 127 : i32
      %and3A_84 = vector.broadcast %and3A_83 : i32 to vector<16xi32>
      %and3A_85 = arith.andi %get3A_79, %and3A_84 : vector<16xi32>
      %broadcast_in_dim3A_86 = arith.constant 1.000000e+00 : f32
      %broadcast_in_dim3A_87 = vector.broadcast %broadcast_in_dim3A_86 : f32 to vector<16xf32>
      tpu.vector_store_idx %arg7[%shift_right_logical3A_82, %and3A_85], %broadcast_in_dim3A_87 {add = true} : memref<81x128xf32, #tpu.memory_space<vmem>>[vector<16xi32>, vector<16xi32>], vector<16xf32>,
      %get3A_88 = arith.index_cast %scan3A_14 : i32 to index
      %get3A_89 = arith.constant 112 : index
      %get3A_90 = tpu.vector_load %arg6[%get3A_88, %get3A_89] {strides = array<i32>} : memref<79x128xi32, #tpu.memory_space<vmem>>, vector<16xi32>,
      %shift_right_logical3A_91 = arith.constant 7 : i32
      %shift_right_logical3A_92 = vector.broadcast %shift_right_logical3A_91 : i32 to vector<16xi32>
      %shift_right_logical3A_93 = arith.shrui %get3A_90, %shift_right_logical3A_92 : vector<16xi32>
      %and3A_94 = arith.constant 127 : i32
      %and3A_95 = vector.broadcast %and3A_94 : i32 to vector<16xi32>
      %and3A_96 = arith.andi %get3A_90, %and3A_95 : vector<16xi32>
      %broadcast_in_dim3A_97 = arith.constant 1.000000e+00 : f32
      %broadcast_in_dim3A_98 = vector.broadcast %broadcast_in_dim3A_97 : f32 to vector<16xf32>
      tpu.vector_store_idx %arg7[%shift_right_logical3A_93, %and3A_96], %broadcast_in_dim3A_98 {add = true} : memref<81x128xf32, #tpu.memory_space<vmem>>[vector<16xi32>, vector<16xi32>], vector<16xf32>,
    }
    %scan3A_7 = arith.constant 79 : i32
    %barrier3A = arith.constant 0 : index
    tpu.barrier barrier_id(%barrier3A)
    %run_scoped3A = arith.constant 0 : i32
    "tpu.region"() ({
      %run_scoped3A_14 = tpu.sem_alloc : memref<!tpu.dma_semaphore, #tpu.memory_space<semaphore_mem>>
      %dma_start3A = arith.constant 0 : i32
      %dma_start3A_15 = tpu.memref_slice %arg8[%run_scoped3A, %dma_start3A] : memref<1x81xi32, #tpu.memory_space<vmem>> -> memref<1x81xi32, #tpu.memory_space<vmem>>
      %dma_start3A_16 = tpu.memref_squeeze %dma_start3A_15 : memref<1x81xi32, #tpu.memory_space<vmem>> -> memref<81xi32, #tpu.memory_space<vmem>>
      %dma_start3A_17 = arith.constant 0 : i32
      %dma_start3A_18 = arith.constant 0 : i32
      %dma_start3A_19 = tpu.memref_slice %arg9[%dma_start3A_17, %dma_start3A_18] : memref<81x128xf32, #tpu.memory_space<vmem_shared>> -> memref<81x128xf32, #tpu.memory_space<vmem_shared>>
      tpu.enqueue_indirect_dma source(%arg7 : memref<81x128xf32, #tpu.memory_space<vmem>>) target(%dma_start3A_19 : memref<81x128xf32, #tpu.memory_space<vmem_shared>>) offsets(%dma_start3A_16 : memref<81xi32, #tpu.memory_space<vmem>>) semaphore(%run_scoped3A_14 : memref<!tpu.dma_semaphore, #tpu.memory_space<semaphore_mem>>) {add = true}
      %dma_wait3A = arith.constant 0 : i32
      %dma_wait3A_20 = tpu.memref_slice %arg8[%run_scoped3A, %dma_wait3A] : memref<1x81xi32, #tpu.memory_space<vmem>> -> memref<1x81xi32, #tpu.memory_space<vmem>>
      %dma_wait3A_21 = tpu.memref_squeeze %dma_wait3A_20 : memref<1x81xi32, #tpu.memory_space<vmem>> -> memref<81xi32, #tpu.memory_space<vmem>>
      %dma_wait3A_22 = arith.constant 0 : i32
      %dma_wait3A_23 = arith.constant 0 : i32
      %dma_wait3A_24 = tpu.memref_slice %arg9[%dma_wait3A_22, %dma_wait3A_23] : memref<81x128xf32, #tpu.memory_space<vmem_shared>> -> memref<81x128xf32, #tpu.memory_space<vmem_shared>>
      tpu.wait_indirect_dma semaphore(%run_scoped3A_14 : memref<!tpu.dma_semaphore, #tpu.memory_space<semaphore_mem>>) src(%arg7 : memref<81x128xf32, #tpu.memory_space<vmem>>) dst(%dma_wait3A_24 : memref<81x128xf32, #tpu.memory_space<vmem_shared>>)
      tpu.yield
    }) : () -> ()
    %barrier3A_8 = arith.constant 0 : index
    tpu.barrier barrier_id(%barrier3A_8)
    %eq3A_9 = arith.constant 0 : i32
    %eq3A_10 = arith.cmpi eq, %arg1, %eq3A_9 : i32
    %convert_element_type3A_11 = arith.extui %eq3A_10 : i1 to i32
    %cond3A_12 = arith.constant 0 : i32
    %cond3A_13 = arith.cmpi ne, %convert_element_type3A_11, %cond3A_12 : i32
    scf.if %cond3A_13 {
      "tpu.region"() ({
        %run_scoped3A_14 = tpu.sem_alloc : memref<!tpu.dma_semaphore, #tpu.memory_space<semaphore_mem>>
        %dma_start3A = arith.constant 0 : i32
        %dma_start3A_15 = arith.constant 0 : i32
        %dma_start3A_16 = tpu.memref_slice %arg5[%arg0, %dma_start3A, %dma_start3A_15] : memref<2x81x128xf32, #tpu.memory_space<hbm>> -> memref<1x81x128xf32, #tpu.memory_space<hbm>>
        %dma_start3A_17 = tpu.memref_squeeze %dma_start3A_16 : memref<1x81x128xf32, #tpu.memory_space<hbm>> -> memref<81x128xf32, #tpu.memory_space<hbm>>
        tpu.enqueue_dma source(%arg9 : memref<81x128xf32, #tpu.memory_space<vmem_shared>>) target(%dma_start3A_17 : memref<81x128xf32, #tpu.memory_space<hbm>>) target_semaphore(%run_scoped3A_14 : memref<!tpu.dma_semaphore, #tpu.memory_space<semaphore_mem>>)
        %dma_wait3A = arith.constant 0 : i32
        %dma_wait3A_18 = arith.constant 0 : i32
        %dma_wait3A_19 = tpu.memref_slice %arg5[%arg0, %dma_wait3A, %dma_wait3A_18] : memref<2x81x128xf32, #tpu.memory_space<hbm>> -> memref<1x81x128xf32, #tpu.memory_space<hbm>>
        %dma_wait3A_20 = tpu.memref_squeeze %dma_wait3A_19 : memref<1x81x128xf32, #tpu.memory_space<hbm>> -> memref<81x128xf32, #tpu.memory_space<hbm>>
        tpu.wait_dma2 semaphore(%run_scoped3A_14 : memref<!tpu.dma_semaphore, #tpu.memory_space<semaphore_mem>>) src(%arg9 : memref<81x128xf32, #tpu.memory_space<vmem_shared>>) dst(%dma_wait3A_20 : memref<81x128xf32, #tpu.memory_space<hbm>>)
        tpu.yield
      }) : () -> ()
    } else {
    }
    return
  }
}

module attributes {stable_mosaic.version = 14 : i64} {
  func.func @_tc1_body(%arg0: i32, %arg1: memref<2000x128xf32, #tpu.memory_space<vmem>>, %arg2: memref<128x128xf32, #tpu.memory_space<vmem>>, %arg3: memref<2000x1xf32, #tpu.memory_space<vmem>>, %arg4: memref<2000x1xf32, #tpu.memory_space<vmem>>, %arg5: memref<2000x128xf32, #tpu.memory_space<vmem>>, %arg6: memref<2000x1xf32, #tpu.memory_space<vmem>>) attributes {dimension_semantics = [#tpu.dimension_semantics<arbitrary>], iteration_bounds = array<i64: 5>, scalar_prefetch = 0 : i64, scratch_operands = 0 : i64, tpu.core_type = #tpu.core_type<tc>, window_params = [{transform_indices = @transform_0, window_bounds = array<i64: 2000, 128>}, {pipeline_mode = #tpu.pipeline_mode<synchronous>, transform_indices = @transform_1, window_bounds = array<i64: 128, 128>}, {transform_indices = @transform_2, window_bounds = array<i64: 2000, 1>}, {transform_indices = @transform_3, window_bounds = array<i64: 2000, 1>}, {transform_indices = @transform_4, window_bounds = array<i64: 2000, 128>}, {transform_indices = @transform_5, window_bounds = array<i64: 2000, 1>}]} {
    %get3A = arith.constant 0 : index
    %get3A_0 = arith.constant 0 : index
    %get3A_1 = vector.load %arg3[%get3A, %get3A_0] : memref<2000x1xf32, #tpu.memory_space<vmem>>, vector<2000x1xf32>
    %get3A_2 = arith.constant 0 : index
    %get3A_3 = arith.constant 0 : index
    %get3A_4 = vector.load %arg4[%get3A_2, %get3A_3] : memref<2000x1xf32, #tpu.memory_space<vmem>>, vector<2000x1xf32>
    %add3A = arith.addf %get3A_1, %get3A_4 : vector<2000x1xf32>
    %add3A_5 = arith.constant 1.000000e+00 : f32
    %add3A_6 = vector.broadcast %add3A_5 : f32 to vector<2000x1xf32>
    %add3A_7 = arith.addf %add3A, %add3A_6 : vector<2000x1xf32>
    %rsqrt3A = math.rsqrt %add3A_7 : vector<2000x1xf32>
    %get3A_8 = arith.constant 0 : index
    %get3A_9 = arith.constant 0 : index
    %get3A_10 = vector.load %arg1[%get3A_8, %get3A_9] : memref<2000x128xf32, #tpu.memory_space<vmem>>, vector<2000x128xf32>
    %get3A_11 = arith.constant 0 : index
    %get3A_12 = arith.constant 0 : index
    %get3A_13 = vector.load %arg2[%get3A_11, %get3A_12] : memref<128x128xf32, #tpu.memory_space<vmem>>, vector<128x128xf32>
    %dot_general3A = arith.constant dense<0.000000e+00> : vector<2000x128xf32>
    %dot_general3A_14 = tpu.matmul %get3A_10, %get3A_13, %dot_general3A {dimension_numbers = #tpu.dot_dimension_numbers<[1], [1], [0], [0], [0, 0, 1, 0], [], []>, transpose_lhs_hint = false} : vector<2000x128xf32>, vector<128x128xf32>, vector<2000x128xf32> -> vector<2000x128xf32>
    %mul3A = vector.broadcast %rsqrt3A : vector<2000x1xf32> to vector<2000x128xf32>
    %mul3A_15 = arith.mulf %dot_general3A_14, %mul3A : vector<2000x128xf32>
    %swap3A = arith.constant 0 : index
    %swap3A_16 = arith.constant 0 : index
    %swap3A_17 = vector.load %arg5[%swap3A, %swap3A_16] : memref<2000x128xf32, #tpu.memory_space<vmem>>, vector<2000x128xf32>
    tpu.vector_store %arg5[%swap3A, %swap3A_16], %mul3A_15 {strides = array<i32>} : memref<2000x128xf32, #tpu.memory_space<vmem>>, vector<2000x128xf32>,
    %swap3A_18 = arith.constant 0 : index
    %swap3A_19 = arith.constant 0 : index
    %swap3A_20 = vector.load %arg6[%swap3A_18, %swap3A_19] : memref<2000x1xf32, #tpu.memory_space<vmem>>, vector<2000x1xf32>
    tpu.vector_store %arg6[%swap3A_18, %swap3A_19], %rsqrt3A {strides = array<i32>} : memref<2000x1xf32, #tpu.memory_space<vmem>>, vector<2000x1xf32>,
    return
  }
  func.func @transform_0(%arg0: i32) -> (i32, i32) {
    %c0_i32 = arith.constant 0 : i32
    %c0_i32_0 = arith.constant 0 : i32
    return %arg0, %c0_i32 : i32, i32
  }
  func.func @transform_1(%arg0: i32) -> (i32, i32) {
    %c0_i32 = arith.constant 0 : i32
    %c0_i32_0 = arith.constant 0 : i32
    %c0_i32_1 = arith.constant 0 : i32
    return %c0_i32, %c0_i32_0 : i32, i32
  }
  func.func @transform_2(%arg0: i32) -> (i32, i32) {
    %c0_i32 = arith.constant 0 : i32
    %c0_i32_0 = arith.constant 0 : i32
    return %arg0, %c0_i32 : i32, i32
  }
  func.func @transform_3(%arg0: i32) -> (i32, i32) {
    %c0_i32 = arith.constant 0 : i32
    %c0_i32_0 = arith.constant 0 : i32
    return %arg0, %c0_i32 : i32, i32
  }
  func.func @transform_4(%arg0: i32) -> (i32, i32) {
    %c0_i32 = arith.constant 0 : i32
    %c0_i32_0 = arith.constant 0 : i32
    return %arg0, %c0_i32 : i32, i32
  }
  func.func @transform_5(%arg0: i32) -> (i32, i32) {
    %c0_i32 = arith.constant 0 : i32
    %c0_i32_0 = arith.constant 0 : i32
    return %arg0, %c0_i32 : i32, i32
  }
}

module attributes {stable_mosaic.version = 14 : i64} {
  func.func @_tc2_body(%arg0: i32, %arg1: memref<2000x128xf32, #tpu.memory_space<vmem>>, %arg2: memref<2000x128xf32, #tpu.memory_space<vmem>>, %arg3: memref<2000x1xf32, #tpu.memory_space<vmem>>, %arg4: memref<1x128xf32, #tpu.memory_space<vmem>>, %arg5: memref<128x128xf32, #tpu.memory_space<vmem>>, %arg6: memref<2000x128xf32, #tpu.memory_space<vmem>>) attributes {dimension_semantics = [#tpu.dimension_semantics<arbitrary>], iteration_bounds = array<i64: 5>, scalar_prefetch = 0 : i64, scratch_operands = 0 : i64, tpu.core_type = #tpu.core_type<tc>, window_params = [{transform_indices = @transform_0, window_bounds = array<i64: 2000, 128>}, {transform_indices = @transform_1, window_bounds = array<i64: 2000, 128>}, {transform_indices = @transform_2, window_bounds = array<i64: 2000, 1>}, {pipeline_mode = #tpu.pipeline_mode<synchronous>, transform_indices = @transform_3, window_bounds = array<i64: 1, 128>}, {pipeline_mode = #tpu.pipeline_mode<synchronous>, transform_indices = @transform_4, window_bounds = array<i64: 128, 128>}, {transform_indices = @transform_5, window_bounds = array<i64: 2000, 128>}]} {
    %get3A = arith.constant 0 : index
    %get3A_0 = arith.constant 0 : index
    %get3A_1 = vector.load %arg3[%get3A, %get3A_0] : memref<2000x1xf32, #tpu.memory_space<vmem>>, vector<2000x1xf32>
    %get3A_2 = arith.constant 0 : index
    %get3A_3 = arith.constant 0 : index
    %get3A_4 = vector.load %arg1[%get3A_2, %get3A_3] : memref<2000x128xf32, #tpu.memory_space<vmem>>, vector<2000x128xf32>
    %get3A_5 = arith.constant 0 : index
    %get3A_6 = arith.constant 0 : index
    %get3A_7 = vector.load %arg2[%get3A_5, %get3A_6] : memref<2000x128xf32, #tpu.memory_space<vmem>>, vector<2000x128xf32>
    %add3A = arith.addf %get3A_4, %get3A_7 : vector<2000x128xf32>
    %mul3A = vector.broadcast %get3A_1 : vector<2000x1xf32> to vector<2000x128xf32>
    %mul3A_8 = arith.mulf %mul3A, %add3A : vector<2000x128xf32>
    %get3A_9 = arith.constant 0 : index
    %get3A_10 = arith.constant 0 : index
    %get3A_11 = vector.load %arg4[%get3A_9, %get3A_10] : memref<1x128xf32, #tpu.memory_space<vmem>>, vector<1x128xf32>
    %add3A_12 = vector.broadcast %get3A_11 : vector<1x128xf32> to vector<2000x128xf32>
    %add3A_13 = arith.addf %mul3A_8, %add3A_12 : vector<2000x128xf32>
    %max3A = arith.constant 0.000000e+00 : f32
    %max3A_14 = vector.broadcast %max3A : f32 to vector<2000x128xf32>
    %max3A_15 = arith.maximumf %add3A_13, %max3A_14 : vector<2000x128xf32>
    %get3A_16 = arith.constant 0 : index
    %get3A_17 = arith.constant 0 : index
    %get3A_18 = vector.load %arg5[%get3A_16, %get3A_17] : memref<128x128xf32, #tpu.memory_space<vmem>>, vector<128x128xf32>
    %dot_general3A = arith.constant dense<0.000000e+00> : vector<2000x128xf32>
    %dot_general3A_19 = tpu.matmul %max3A_15, %get3A_18, %dot_general3A {dimension_numbers = #tpu.dot_dimension_numbers<[1], [1], [0], [0], [0, 0, 1, 0], [], []>, transpose_lhs_hint = false} : vector<2000x128xf32>, vector<128x128xf32>, vector<2000x128xf32> -> vector<2000x128xf32>
    %mul3A_20 = vector.broadcast %get3A_1 : vector<2000x1xf32> to vector<2000x128xf32>
    %mul3A_21 = arith.mulf %dot_general3A_19, %mul3A_20 : vector<2000x128xf32>
    %swap3A = arith.constant 0 : index
    %swap3A_22 = arith.constant 0 : index
    %swap3A_23 = vector.load %arg6[%swap3A, %swap3A_22] : memref<2000x128xf32, #tpu.memory_space<vmem>>, vector<2000x128xf32>
    tpu.vector_store %arg6[%swap3A, %swap3A_22], %mul3A_21 {strides = array<i32>} : memref<2000x128xf32, #tpu.memory_space<vmem>>, vector<2000x128xf32>,
    return
  }
  func.func @transform_0(%arg0: i32) -> (i32, i32) {
    %c0_i32 = arith.constant 0 : i32
    %c0_i32_0 = arith.constant 0 : i32
    return %arg0, %c0_i32 : i32, i32
  }
  func.func @transform_1(%arg0: i32) -> (i32, i32) {
    %c0_i32 = arith.constant 0 : i32
    %c0_i32_0 = arith.constant 0 : i32
    return %arg0, %c0_i32 : i32, i32
  }
  func.func @transform_2(%arg0: i32) -> (i32, i32) {
    %c0_i32 = arith.constant 0 : i32
    %c0_i32_0 = arith.constant 0 : i32
    return %arg0, %c0_i32 : i32, i32
  }
  func.func @transform_3(%arg0: i32) -> (i32, i32) {
    %c0_i32 = arith.constant 0 : i32
    %c0_i32_0 = arith.constant 0 : i32
    %c0_i32_1 = arith.constant 0 : i32
    return %c0_i32, %c0_i32_0 : i32, i32
  }
  func.func @transform_4(%arg0: i32) -> (i32, i32) {
    %c0_i32 = arith.constant 0 : i32
    %c0_i32_0 = arith.constant 0 : i32
    %c0_i32_1 = arith.constant 0 : i32
    return %c0_i32, %c0_i32_0 : i32, i32
  }
  func.func @transform_5(%arg0: i32) -> (i32, i32) {
    %c0_i32 = arith.constant 0 : i32
    %c0_i32_0 = arith.constant 0 : i32
    return %arg0, %c0_i32 : i32, i32
  }
}

module attributes {stable_mosaic.version = 14 : i64} {
  func.func @_tc3_body(%arg0: memref<10000x128xf32, #tpu.memory_space<vmem>>, %arg1: memref<10000x128xf32, #tpu.memory_space<vmem>>, %arg2: memref<10000x1xf32, #tpu.memory_space<vmem>>, %arg3: memref<1x128xf32, #tpu.memory_space<vmem>>, %arg4: memref<1x10000xi32, #tpu.memory_space<vmem>>, %arg5: memref<64x128xf32, #tpu.memory_space<vmem>>, %arg6: memref<1x64xf32, #tpu.memory_space<vmem>>, %arg7: memref<10x64xf32, #tpu.memory_space<vmem>>, %arg8: memref<1x10xf32, #tpu.memory_space<vmem>>, %arg9: memref<64x10xf32, #tpu.memory_space<vmem>>) attributes {dimension_semantics = [], scalar_prefetch = 0 : i64, scratch_operands = 0 : i64, tpu.core_type = #tpu.core_type<tc>} {
    %get3A = arith.constant 0 : index
    %get3A_0 = arith.constant 0 : index
    %get3A_1 = vector.load %arg2[%get3A, %get3A_0] : memref<10000x1xf32, #tpu.memory_space<vmem>>, vector<10000x1xf32>
    %get3A_2 = arith.constant 0 : index
    %get3A_3 = arith.constant 0 : index
    %get3A_4 = vector.load %arg0[%get3A_2, %get3A_3] : memref<10000x128xf32, #tpu.memory_space<vmem>>, vector<10000x128xf32>
    %get3A_5 = arith.constant 0 : index
    %get3A_6 = arith.constant 0 : index
    %get3A_7 = vector.load %arg1[%get3A_5, %get3A_6] : memref<10000x128xf32, #tpu.memory_space<vmem>>, vector<10000x128xf32>
    %add3A = arith.addf %get3A_4, %get3A_7 : vector<10000x128xf32>
    %mul3A = vector.broadcast %get3A_1 : vector<10000x1xf32> to vector<10000x128xf32>
    %mul3A_8 = arith.mulf %mul3A, %add3A : vector<10000x128xf32>
    %get3A_9 = arith.constant 0 : index
    %get3A_10 = arith.constant 0 : index
    %get3A_11 = vector.load %arg3[%get3A_9, %get3A_10] : memref<1x128xf32, #tpu.memory_space<vmem>>, vector<1x128xf32>
    %add3A_12 = vector.broadcast %get3A_11 : vector<1x128xf32> to vector<10000x128xf32>
    %add3A_13 = arith.addf %mul3A_8, %add3A_12 : vector<10000x128xf32>
    %max3A = arith.constant 0.000000e+00 : f32
    %max3A_14 = vector.broadcast %max3A : f32 to vector<10000x128xf32>
    %max3A_15 = arith.maximumf %add3A_13, %max3A_14 : vector<10000x128xf32>
    %iota3A = tpu.iota {dimensions = array<i32: 0>} : vector<64x10000xi32>
    %get3A_16 = arith.constant 0 : index
    %get3A_17 = arith.constant 0 : index
    %get3A_18 = vector.load %arg4[%get3A_16, %get3A_17] : memref<1x10000xi32, #tpu.memory_space<vmem>>, vector<1x10000xi32>
    %eq3A = vector.broadcast %get3A_18 : vector<1x10000xi32> to vector<64x10000xi32>
    %eq3A_19 = arith.cmpi eq, %iota3A, %eq3A : vector<64x10000xi32>
    %convert_element_type3A = arith.extui %eq3A_19 : vector<64x10000xi1> to vector<64x10000xi32>
    %convert_element_type3A_20 = arith.sitofp %convert_element_type3A : vector<64x10000xi32> to vector<64x10000xf32>
    %dot_general3A = arith.constant dense<0.000000e+00> : vector<64x128xf32>
    %dot_general3A_21 = tpu.matmul %convert_element_type3A_20, %max3A_15, %dot_general3A {dimension_numbers = #tpu.dot_dimension_numbers<[1], [0], [0], [1], [0, 0, 1, 1], [], []>, transpose_lhs_hint = false} : vector<64x10000xf32>, vector<10000x128xf32>, vector<64x128xf32> -> vector<64x128xf32>
    %reduce_sum3A = arith.constant dense<0.000000e+00> : vector<64xf32>
    %reduce_sum3A_22 = vector.multi_reduction <add>, %convert_element_type3A_20, %reduce_sum3A [1] : vector<64x10000xf32> to vector<64xf32>
    %broadcast_in_dim3A = vector.shape_cast %reduce_sum3A_22 : vector<64xf32> to vector<64x1xf32>
    %max3A_23 = arith.constant 1.000000e+00 : f32
    %max3A_24 = vector.broadcast %max3A_23 : f32 to vector<64x1xf32>
    %max3A_25 = arith.maximumf %broadcast_in_dim3A, %max3A_24 : vector<64x1xf32>
    %div3A = vector.broadcast %max3A_25 : vector<64x1xf32> to vector<64x128xf32>
    %div3A_26 = arith.divf %dot_general3A_21, %div3A : vector<64x128xf32>
    %get3A_27 = arith.constant 0 : index
    %get3A_28 = arith.constant 0 : index
    %get3A_29 = vector.load %arg5[%get3A_27, %get3A_28] : memref<64x128xf32, #tpu.memory_space<vmem>>, vector<64x128xf32>
    %dot_general3A_30 = arith.constant dense<0.000000e+00> : vector<64x64xf32>
    %dot_general3A_31 = tpu.matmul %div3A_26, %get3A_29, %dot_general3A_30 {dimension_numbers = #tpu.dot_dimension_numbers<[1], [1], [0], [0], [0, 0, 1, 0], [], []>, transpose_lhs_hint = false} : vector<64x128xf32>, vector<64x128xf32>, vector<64x64xf32> -> vector<64x64xf32>
    %get3A_32 = arith.constant 0 : index
    %get3A_33 = arith.constant 0 : index
    %get3A_34 = vector.load %arg6[%get3A_32, %get3A_33] : memref<1x64xf32, #tpu.memory_space<vmem>>, vector<1x64xf32>
    %add3A_35 = vector.broadcast %get3A_34 : vector<1x64xf32> to vector<64x64xf32>
    %add3A_36 = arith.addf %dot_general3A_31, %add3A_35 : vector<64x64xf32>
    %max3A_37 = arith.constant 0.000000e+00 : f32
    %max3A_38 = vector.broadcast %max3A_37 : f32 to vector<64x64xf32>
    %max3A_39 = arith.maximumf %add3A_36, %max3A_38 : vector<64x64xf32>
    %get3A_40 = arith.constant 0 : index
    %get3A_41 = arith.constant 0 : index
    %get3A_42 = vector.load %arg7[%get3A_40, %get3A_41] : memref<10x64xf32, #tpu.memory_space<vmem>>, vector<10x64xf32>
    %dot_general3A_43 = arith.constant dense<0.000000e+00> : vector<64x10xf32>
    %dot_general3A_44 = tpu.matmul %max3A_39, %get3A_42, %dot_general3A_43 {dimension_numbers = #tpu.dot_dimension_numbers<[1], [1], [0], [0], [0, 0, 1, 0], [], []>, transpose_lhs_hint = false} : vector<64x64xf32>, vector<10x64xf32>, vector<64x10xf32> -> vector<64x10xf32>
    %get3A_45 = arith.constant 0 : index
    %get3A_46 = arith.constant 0 : index
    %get3A_47 = vector.load %arg8[%get3A_45, %get3A_46] : memref<1x10xf32, #tpu.memory_space<vmem>>, vector<1x10xf32>
    %add3A_48 = vector.broadcast %get3A_47 : vector<1x10xf32> to vector<64x10xf32>
    %add3A_49 = arith.addf %dot_general3A_44, %add3A_48 : vector<64x10xf32>
    %swap3A = arith.constant 0 : index
    %swap3A_50 = arith.constant 0 : index
    %swap3A_51 = vector.load %arg9[%swap3A, %swap3A_50] : memref<64x10xf32, #tpu.memory_space<vmem>>, vector<64x10xf32>
    tpu.vector_store %arg9[%swap3A, %swap3A_50], %add3A_49 {strides = array<i32>} : memref<64x10xf32, #tpu.memory_space<vmem>>, vector<64x10xf32>,
    return
  }
}

</mosaic_0001>

<sc_bundles>
// kernel: kernel.11.cloned.1.call-start
scs
__scs_entry_jumppad:
0x0: {  	(pc) =	sbr.rel $0x88, $3  }
0x1: {  	(tag) =	ssettag $0x0;
	lr =	simm.s32 $0x1  }
0x2: {  	[smem:$0x3F96] =	sst lr;
	_ =	strace $0xD0000000  }
0x3: {  	_ = 	snop  }
0x4: {  	_ = 	snop  }
0x5: {  	_ = 	snop  }
0x6: {  	_ = 	snop  }
0x7: {  	_ = 	snop  }
__scs_overlays_trampoline_lowered:
0x8: {  	[smem:$0x3FA5] =	sst s0  }
0x9: {  	[smem:$0x3FA6] =	sst s1  }
0xa: {  	[smem:$0x3FA7] =	sst s2  }
0xb: {  	[smem:$0x3FA8] =	sst s3  }
0xc: {  	[smem:$0x3FA9] =	sst s4  }
0xd: {  	[smem:$0x3FAA] =	sst s5  }
0xe: {  	[smem:$0x3FAB] =	sst s6  }
0xf: {  	[smem:$0x3FAC] =	sst s7  }
0x10: {  	[smem:$0x3FAD] =	sst s8  }
0x11: {  	[smem:$0x3FAE] =	sst s9;
	s0 =	simm.s32 @!p0 $0x0  }
0x12: {  	s1 =	sld [smem:$0x3F94];
	s0 =	simm.s32 @p0 $0x1  }
0x13: {  	[smem:$0x3FAF] =	sst s0;
	s0 =	simm.s32 @!p1 $0x0  }
0x14: {  	s2 =	sld [smem:$0x3F93];
	s0 =	simm.s32 @p1 $0x1  }
0x15: {  	[smem:$0x3FB0] =	sst s0;
	s0 =	simm.s32 @!p2 $0x0  }
0x16: {  	s3 =	sld [smem:$0x3FDB];
	s0 =	simm.s32 @p2 $0x1  }
0x17: {  	s4 =	simm.s32 $0x1BF5;
	[smem:$0x3FB2] =	sst s0  }
0x18: {  	s0 =	sld [smem:$0x3F95];
	_ =	swait.ge [sflag:s4], $0x0  }
0x19: {  	s7 =	sld [smem:$0x3F96]  }
0x1a: {  	s8 =	sadd.s32 $0xFFFFE003, lr  }
0x1b: {  	s9 =	sadd.s32 $0xFFFFFEF7, lr;
	s5 =	simm.s32 $0xFFFFFFFF;
	p2 =	slt.u32 s8, $0xFFFFF086  }
0x1c: {  	p1 =	slt.u32 s9, $0xF7A;
	s5 =	simm.s32 @!p2 $0x0  }
0x1d: {  	s5 =	simm.s32 @p1 $0x1;
	p0 =	seq.s32 s7, s2  }
0x1e: {  	s7 =	smul.u32 @!p0 $0xF7A, s2;
	p2 =	seq.s32 @!p0 s5, $0x0  }
0x1f: {  	s9 =	smul.u32 $0xF7A, s1;
	s8 =	simm.s32 @!p0 $0x1BF5;
	p2 =	por !p2, p0  }
0x20: {  	[sflag:s8] =	ssyncset.s32 @!p0 $0xFFFFF086;
	s6 =	sadd.s32 @!p0 s3, s7;
	s7 =	simm.s32 @!p0 $0x108  }
0x21: {  	s3 =	sadd.s32 s3, s9;
	s6 =	sadd.s32 @!p0 $0x88, s6;
	s7 =	simm.s32 @p2 $0x1082  }
0x22: {  	[simem:s7], [sflag:s8] =	dma.local @!p0 [hbm:s6], $0xF7A  }
0x23: {  	s9 =	sor.u32 $0xD0000000, s2;
	s6 =	simm.s32 $0x108;
	_ =	swait.ge @!p0 [sflag:s8], $0x0  }
0x24: {  	s3 =	sadd.s32 $0x88, s3;
	s6 =	simm.s32 @!p1 $0x1082;
	[sflag:s4] =	ssyncset.s32 $0xFFFFF086  }
0x25: {  	[simem:s6], [sflag:s4] =	dma.local [hbm:s3], $0xF7A  }
0x26: {  	[smem:$0x3F96] =	sst s1;
	(tag) =	ssettag s2;
	_ =	strace s9  }
0x27: {  	s1 =	sld [smem:$0x3FA6]  }
0x28: {  	s2 =	sld [smem:$0x3FA7]  }
0x29: {  	s4 =	sld [smem:$0x3FA9]  }
0x2a: {  	p0 =	seq.s32 s5, $0x0;
	s5 =	sld [smem:$0x3FAA]  }
0x2b: {  	s6 =	sld [smem:$0x3FAB]  }
0x2c: {  	s7 =	sld [smem:$0x3FAC]  }
0x2d: {  	s3 =	simm.s32 $0x108;
	s8 =	sld [smem:$0x3FAD]  }
0x2e: {  	s3 =	simm.s32 @!p0 $0x1082;
	s9 =	sld [smem:$0x3FAE]  }
0x2f: {  	lr =	sadd.s32 s0, s3;
	s0 =	sld [smem:$0x3FA5]  }
0x30: {  	s3 =	sld [smem:$0x3FA8]  }
0x31: {  	[smem:$0x3FB1] =	sst s10  }
0x32: {  	s10 =	sld [smem:$0x3FAF];
	_ =	sdelay $0x3  }
0x33: {  	p0 =	seq.s32 s10, $0x1;
	s10 =	sld [smem:$0x3FB1];
	_ =	sdelay $0x3  }
0x34: {  	[smem:$0x3FB1] =	sst s10  }
0x35: {  	s10 =	sld [smem:$0x3FB0];
	_ =	sdelay $0x3  }
0x36: {  	p1 =	seq.s32 s10, $0x1;
	s10 =	sld [smem:$0x3FB1];
	_ =	sdelay $0x3  }
0x37: {  	[smem:$0x3FB1] =	sst s10  }
0x38: {  	s10 =	sld [smem:$0x3FB2]  }
0x39: {  	_ = 	snop;
	(pc) =	sbr.ind lr, $3  }
0x3a: {  	_ = 	snop  }
0x3b: {  	_ = 	snop  }
0x3c: {  	p2 =	seq.s32 s10, $0x1;
	s10 =	sld [smem:$0x3FB1]  }
0x3d: {  	_ =	shalt  }
0x3e: {  	_ =	shalt  }
0x3f: {  	_ =	shalt  }
0x40: {  	_ =	shalt  }
0x41: {  	_ =	shalt  }
0x42: {  	_ =	shalt  }
0x43: {  	_ =	shalt  }
0x44: {  	_ =	shalt  }
0x45: {  	_ =	shalt  }
0x46: {  	_ =	shalt  }
0x47: {  	_ =	shalt  }
0x48: {  	_ =	shalt  }
0x49: {  	_ =	shalt  }
0x4a: {  	_ =	shalt  }
0x4b: {  	_ =	shalt  }
0x4c: {  	_ =	shalt  }
0x4d: {  	_ =	shalt  }
0x4e: {  	_ =	shalt  }
0x4f: {  	_ =	shalt  }
0x50: {  	_ =	shalt  }
0x51: {  	_ =	shalt  }
0x52: {  	_ =	shalt  }
0x53: {  	_ =	shalt  }
0x54: {  	_ =	shalt  }
0x55: {  	_ =	shalt  }
0x56: {  	_ =	shalt  }
0x57: {  	_ =	shalt  }
0x58: {  	_ =	shalt  }
0x59: {  	_ =	shalt  }
0x5a: {  	_ =	shalt  }
0x5b: {  	_ =	shalt  }
0x5c: {  	_ =	shalt  }
0x5d: {  	_ =	shalt  }
0x5e: {  	_ =	shalt  }
0x5f: {  	_ =	shalt  }
0x60: {  	_ =	shalt  }
0x61: {  	_ =	shalt  }
0x62: {  	_ =	shalt  }
0x63: {  	_ =	shalt  }
0x64: {  	_ =	shalt  }
0x65: {  	_ =	shalt  }
0x66: {  	_ =	shalt  }
0x67: {  	_ =	shalt  }
0x68: {  	_ =	shalt  }
0x69: {  	_ =	shalt  }
0x6a: {  	_ =	shalt  }
0x6b: {  	_ =	shalt  }
0x6c: {  	_ =	shalt  }
0x6d: {  	_ =	shalt  }
0x6e: {  	_ =	shalt  }
0x6f: {  	_ =	shalt  }
0x70: {  	_ =	shalt  }
0x71: {  	_ =	shalt  }
0x72: {  	_ =	shalt  }
0x73: {  	_ =	shalt  }
0x74: {  	_ =	shalt  }
0x75: {  	_ =	shalt  }
0x76: {  	_ =	shalt  }
0x77: {  	_ =	shalt  }
0x78: {  	_ =	shalt  }
0x79: {  	_ =	shalt  }
0x7a: {  	_ =	shalt  }
0x7b: {  	_ =	shalt  }
0x7c: {  	_ =	shalt  }
0x7d: {  	_ =	shalt  }
0x7e: {  	_ =	shalt  }
0x7f: {  	_ =	shalt  }
0x80: {  	_ =	shalt  }
0x81: {  	_ =	shalt  }
0x82: {  	_ =	shalt  }
0x83: {  	_ =	shalt  }
0x84: {  	_ =	shalt  }
0x85: {  	_ =	shalt  }
0x86: {  	_ =	shalt  }
0x87: {  	_ =	shalt  }
.Lfunc_end0:
.L_simem_size_0:
called_computation.1_lowered:
.L_overlay_start_0:
0x88: {  	s2 =	sld [smem:$0x3FD9]  }
0x89: {  	s3 =	sld [smem:$0x3FFE];
	_ =	sdelay $0x1  }
0x8a: {  	s1 =	srdreg.scid  }
0x8b: {  	s0 =	sand.u32 $0x1, s1  }
0x8c: {  	s16 =	sshll.u32 s0, $0xA;
	s2 =	sadd.s32 s3, s2  }
0x8d: {  	s2 =	sadd.s32 s2, s16  }
0x8e: {  	[smem:$0x3FBD] =	sst s2  }
0x8f: {  	_ = 	snop  }
0x90: {  	(tm) =	ssettm $0x1  }
0x91: {  	s17 =	sld [smem:$0x3FFB];
	_ =	sdelay $0x3  }
0x92: {  	_ =	strace s17  }
0x93: {  	s2 =	sld [smem:$0x3FFC];
	_ =	sdelay $0x3  }
0x94: {  	_ =	strace s2  }
0x95: {  	s2 =	sld [smem:$0x3FFD];
	_ =	sdelay $0x3  }
0x96: {  	_ =	strace s2  }
0x97: {  	_ =	strace $0x8FFFFFFF  }
0x98: {  	s18 =	sld [smem:$0x3FDB];
	_ =	sdelay $0x1  }
0x99: {  	s19 =	simm.s32 $_scs_section_size  }
0x9a: {  	s4 =	simm.s32 $_size__tile_overlayer_lowered;
	s5 =	simm.s32 $_tile_overlayer_lowered  }
0x9b: {  	s22 =	simm.s32 $0x1BFF;
	s21 =	sshll.u32 s5, $0x1;
	s2 =	sadd.s32 s19, s18  }
0x9c: {  	s6 =	simm.s32 $0x0;
	s20 =	sshll.u32 s4, $0x1;
	s4 =	sadd.s32 s21, s2  }
0x9d: {  	[timem:s6], [sflag:s22] =	dma.local [hbm:s4], s20  }
0x9e: {  	_ =	swait.ge [sflag:s22], s20  }
0x9f: {  	s3 =	ssub.s32 $0x0, s20;
	[sflag:s22] =	ssyncset.done $0x0  }
0xa0: {  	[sflag:s22] =	ssyncadd.s32 s3;
	_ =	sdelay $0x1  }
0xa1: {  	s23 =	simm.s32 $0x1B8B  }
0xa2: {  	_ =	swait.ge [sflag:s23], $0x1  }
0xa3: {  	[sflag:s23] =	ssyncset.done $0x0  }
0xa4: {  	s25 =	simm.s32 $0x1B8E;
	s24 =	sld [smem:$0x3FFE];
	[sflag:s23] =	ssyncadd.s32 $0xFFFFFFFF  }
0xa5: {  	s26 =	simm.s32 $execute0_lowered;
	[smem:$0x3FD2] =	sst s25  }
0xa6: {  	s4 =	sshll.u32 s26, $0x1;
	_ =	strace $0x80000049;
	[dreg:$0x1] =	wrdreg $0xFFFFFFFF  }
0xa7: {  	s28 =	simm.s32 $_size_execute0_lowered;
	s2 =	sadd.s32 s2, s4;
	[dreg:$0x0] =	wrdreg $0x0  }
0xa8: {  	s4 =	sshll.u32 s28, $0x1;
	[dreg:$0x2] =	wrdreg s2  }
0xa9: {  	[dreg:$0x3] =	wrdreg s4  }
0xaa: {  	[dreg:$0x4] =	wrdreg $0xC0  }
0xab: {  	_ =	task [dreg:s6], $0x5FFFF  }
0xac: {  	[dreg:$0x1] =	wrdreg $0xFFFFFFFF  }
0xad: {  	[dreg:$0x0] =	wrdreg $0x60  }
0xae: {  	[dreg:$0x2] =	wrdreg s24  }
0xaf: {  	[dreg:$0x3] =	wrdreg $0xA8000  }
0xb0: {  	[dreg:$0x4] =	wrdreg $0x9  }
0xb1: {  	_ =	task.clear_ibuf [dreg:s6], $0x5FFFF;
	_ =	strace $0x90000049  }
0xb2: {  	s29 =	simm.s32 $0x9;
	_ =	strace $0x8000004B  }
0xb3: {  	_ =	swait.ge [sflag:s29], $0x1  }
0xb4: {  	[sflag:s29] =	ssyncadd.s32 $0xFFFFFFFF  }
0xb5: {  	_ =	strace $0x9000004B  }
0xb6: {  	_ =	sfence  }
0xb7: {  	s30 =	sld [smem:$0x0];
	_ =	sdelay $0x2  }
0xb8: {  	s31 =	sshll.u32 s1, $0xD;
	s1 =	sshrl.u32 s1, $0x2  }
0xb9: {  	s3 =	sand.u32 $0x4000, s31;
	s1 =	sadd.s32 s1, s30  }
0xba: {  	s0 =	sor.u32 s3, s0;
	s1 =	sshll.u32 s1, $0x11  }
0xbb: {  	s0 =	sor.u32 s1, s0  }
0xbc: {  	s0 =	sadd.s32 $0x8F2B, s0  }
0xbd: {  	[sflag:s0] =	ssyncadd.remote.s32 $0x1  }
0xbe: {  	_ =	sfence.sel $0xFFFF  }
0xbf: {  	[dreg:$0x0] =	wrdreg $0xFFFFFFFF;
	(pc) =	sbr.abs _section_cstart, $3  }
0xc0: {  	[dreg:$0x1] =	wrdreg $0xFFFFFFFF  }
0xc1: {  	_ =	task.clear_ibuf [dreg:s6], $0x2FFFF;
	_ =	strace $0x9FFFFFFF  }
0xc2: {  	(tm) =	ssettm $0x7FFFFFFF  }
0xc3: {  	_ =	shalt  }
tec
execute0_lowered:
.L_overlay_start_1:
0x0: {  	(tag) =	ssettag $0x1  }
0x1: {  	s6 =	rddreg [dreg:$0x0]  }
0x2: {  	s1 =	rddreg [dreg:$0x1]  }
0x3: {  	s2 =	srdreg.scid;
	s3 =	simm.s32 $0x0;
	s0 =	stileid.u32  }
0x4: {  	s18 =	simm.s32 $0x3;
	s19 =	simm.s32 $0x1400;
	s20 =	simm.s32 $0x7D  }
0x5: {  	s21 =	simm.s32 $0x2800;
	s22 =	simm.s32 $0x6800;
	s28 =	simm.s32 $0x2780  }
0x6: {  	s29 =	simm.s32 $0x0;
	s7 =	sand.u32 $0x1, s2;
	s8 =	smul.u32 $0x1F400, s0  }
0x7: {  	[smem:$0x7FF] =	sst s3;
	s4 =	sadd.s32 $0x21C00, s6;
	s13 =	smul.u32 $0x7D000, s0  }
0x8: {  	s10 =	sadd.s32 $0x17C00, s6;
	s11 =	sadd.s32 $0xDC00, s6;
	s30 =	smul.u32 $0x3E80, s0  }
0x9: {  	s23 =	sadd.s32 $0x2A00, s6;
	p1 =	slt.u32 s0, $0xA;
	s5 =	smul.u32 $0x138800, s7  }
0xa: {  	_ =	strace $0x8000004A;
	s9 =	ssub.s32 $0x2, s7;
	[dreg:$0x3] =	wrdreg s23  }
0xb: {  	s25 =	sshll.u32 s7, $0x4;
	p0 =	seq.s32 s7, $0x0;
	p2 =	seq.s32 s7, $0x1  }
0xc: {  	s23 =	simm.s32 $0x1;
	s24 =	sshrl.u32 s9, $0x1;
	p0 =	por !p1, !p0  }
0xd: {  	s26 =	sshrl.u32 s13, $0x2;
	p1 =	por !p1, !p2;
	s7 =	sadd.s32 s4, s30  }
0xe: {  	p2 =	sgt.u32 s0, $0x9;
	s5 =	sadd.s32 s8, s5;
	s14 =	ssub.s32 s9, s24  }
0xf: {  	p0 =	por !p0, !p0;
	p1 =	por !p1, !p1;
	s8 =	sshrl.u32 s5, $0x3  }
0x10: {  	s24 =	simm.s32 $0x2;
	s12 =	sadd.s32 s8, s6;
	s8 =	sor.u32 s0, s25  }
0x11: {  	s13 =	smax.u32 s14, $0x1;
	s16 =	sshll.u32 @p1 s0, $0x6;
	s8 =	smul.u32 $0x2800, s8  }
0x12: {  	s6 =	sadd.s32 s26, s1;
	s16 =	sor.u32 @p1 $0x1C03, s16;
	s25 =	simm.s32 $0x1380  }
0x13: {  	s26 =	simm.s32 $0x2700;
	s12 =	sadd.s32 $0x48E00, s12;
	s31 =	sshrl.u32 s8, $0x3  }
0x14: {  	s15 =	sadd.s32 $0x280, s31;
	s8 =	sadd.s32 s10, s31;
	s9 =	sadd.s32 s11, s31  }
0x15: {  	s10 =	sadd.s32 s10, s15;
	s11 =	sadd.s32 s11, s15;
	s15 =	sshll.u32 @p0 s0, $0x6  }
0x16: {  	s17 =	sshrl.u32 @p1 s6, $0x3;
	s14 =	sor.u32 @p0 $0x1C03, s15;
	s15 =	sshrl.u32 @p0 s6, $0x3  }
.LBB2_1:
0x17: {  	[spmem:s15], [sflag:s14] =	dma.local @p0 [hbm:s7], $0x3E80  }
0x18: {  	s30 =	simm.s32 @p0 $0x3  }
0x19: {  	_ =	swait.ge @p0 [sflag:s30], $0x3E80  }
0x1a: {  	[sflag:s30] =	ssyncset.done @p0 $0x0  }
0x1b: {  	s0 =	rddreg [dreg:$0x3];
	[sflag:s30] =	ssyncadd.s32 @p0 $0xFFFFC180;
	s30 =	simm.s32 @p1 $0x3  }
0x1c: {  	[spmem:s17], [sflag:s16] =	dma.local @p1 [hbm:s0], $0x3E80  }
0x1d: {  	_ =	swait.ge @p1 [sflag:s30], $0x3E80  }
0x1e: {  	[sflag:s30] =	ssyncset.done @p1 $0x0  }
0x1f: {  	[sflag:s30] =	ssyncadd.s32 @p1 $0xFFFFC180  }
0x20: {  	[tilespmem:s3], [sflag:$0x3] =	stream.linear.gather [hbm4b:s8+s3], $0x1400, $0x38;
	[tilespmem:$0x1E080] =	vst v63  }
0x21: {  	_ =	swait.ge [sflag:s18], $0x1400  }
0x22: {  	[sflag:s18] =	ssyncset.done $0x0  }
0x23: {  	[sflag:s18] =	ssyncadd.s32 $0xFFFFEC00  }
0x24: {  	[tilespmem:s19], [sflag:$0x3] =	stream.linear.gather [hbm4b:s9+s3], $0x1400, $0x38;
	[tilespmem:$0x1E080] =	vst v63  }
0x25: {  	_ =	swait.ge [sflag:s18], $0x1400  }
0x26: {  	[sflag:s18] =	ssyncset.done $0x0  }
0x27: {  	[sflag:s18] =	ssyncadd.s32 $0xFFFFEC00  }
0x28: {  	[tilespmem:s21], [sflag:$0x1] =	stream.indirect.gather [hbm4b:s4+s20], $0x80, s3, s20, $0xb8;
	[tilespmem:$0x1E080] =	vst v63  }
0x29: {  	s30 =	simm.s32 $0x80;
	[bflag:$0x0] =	sbarrier.arrive $0xFFFF  }
0x2a: {  	[tilespmem:s22], [sflag:$0x2] =	stream.indirect.gather [hbm4b:s4+s20], $0x80, s30, s20, $0xb8;
	[tilespmem:$0x1E080] =	vst v63  }
0x2b: {  	_ =	swait.ge [sflag:s23], $0x3E80  }
0x2c: {  	[sflag:s23] =	ssyncset.done $0x0  }
0x2d: {  	s30 =	simm.s32 $0x1400;
	[sflag:s23] =	ssyncadd.s32 $0xFFFFC180  }
0x2e: {  	[spmem:s1] =	stream.indirect.scatter.add.f32 [tilespmem:s21], [sflag:$0x3], $0x80, s30, s20, $0xb8;
	[tilespmem:$0x1E080] =	vst v63  }
0x2f: {  	_ =	swait.ge [sflag:s18], $0x3E80  }
0x30: {  	[sflag:s18] =	ssyncset.done $0x0  }
0x31: {  	s30 =	simm.s32 $0x100;
	[sflag:s18] =	ssyncadd.s32 $0xFFFFC180  }
0x32: {  	[tilespmem:s21], [sflag:$0x1] =	stream.indirect.gather [hbm4b:s4+s20], $0x80, s30, s20, $0xb8;
	[tilespmem:$0x1E080] =	vst v63  }
0x33: {  	_ =	swait.ge [sflag:s24], $0x3E80  }
0x34: {  	[sflag:s24] =	ssyncset.done $0x0  }
0x35: {  	s30 =	simm.s32 $0x1480;
	[sflag:s24] =	ssyncadd.s32 $0xFFFFC180  }
0x36: {  	[spmem:s1] =	stream.indirect.scatter.add.f32 [tilespmem:s22], [sflag:$0x3], $0x80, s30, s20, $0xb8;
	[tilespmem:$0x1E080] =	vst v63  }
0x37: {  	_ =	swait.ge [sflag:s18], $0x3E80  }
0x38: {  	s31 =	simm.s32 $0x800;
	s30 =	simm.s32 $0x100;
	[sflag:s18] =	ssyncset.done $0x0  }
.LBB2_2:
0x39: {  	s0 =	sadd.s32 $0x80, s30  }
0x3a: {  	[sflag:s18] =	ssyncadd.s32 $0xFFFFC180;
	s2 =	smov.u32 s31;
	s5 =	sadd.s32 $0x400, s31  }
0x3b: {  	[tilespmem:s22], [sflag:$0x2] =	stream.indirect.gather [hbm4b:s4+s20], $0x80, s0, s20, $0xb8;
	[tilespmem:$0x1E080] =	vst v63  }
0x3c: {  	p3 =	sne.s32 s31, $0x4800;
	_ =	swait.ge [sflag:s23], $0x3E80  }
0x3d: {  	[sflag:s23] =	ssyncset.done $0x0  }
0x3e: {  	s0 =	sadd.s32 $0x1400, s30;
	[sflag:s23] =	ssyncadd.s32 $0xFFFFC180  }
0x3f: {  	[spmem:s1] =	stream.indirect.scatter.add.f32 [tilespmem:s21], [sflag:$0x3], $0x80, s0, s20, $0xb8;
	[tilespmem:$0x1E080] =	vst v63  }
0x40: {  	_ =	swait.ge [sflag:s18], $0x3E80  }
0x41: {  	[sflag:s18] =	ssyncset.done $0x0  }
0x42: {  	s0 =	sadd.s32 $0x100, s30;
	[sflag:s18] =	ssyncadd.s32 $0xFFFFC180  }
0x43: {  	[tilespmem:s21], [sflag:$0x1] =	stream.indirect.gather [hbm4b:s4+s20], $0x80, s0, s20, $0xb8;
	[tilespmem:$0x1E080] =	vst v63  }
0x44: {  	_ =	swait.ge [sflag:s24], $0x3E80  }
.Ltmp0:
0x45: {  	[sflag:s24] =	ssyncset.done $0x0;
	(pc) =	sbr.rel @p3 .LBB2_2-.Ltmp0, $4  }
0x46: {  	s0 =	sadd.s32 $0x1480, s30;
	[sflag:s24] =	ssyncadd.s32 $0xFFFFC180  }
0x47: {  	[spmem:s1] =	stream.indirect.scatter.add.f32 [tilespmem:s22], [sflag:$0x3], $0x80, s0, s20, $0xb8;
	[tilespmem:$0x1E080] =	vst v63  }
0x48: {  	_ =	swait.ge [sflag:s18], $0x3E80  }
0x49: {  	s31 =	smov.u32 s5;
	s30 =	sshra.s32 s2, $0x2;
	[sflag:s18] =	ssyncset.done $0x0  }
0x4a: {  	s0 =	sadd.s32 $0x80, s30;
	[sflag:s18] =	ssyncadd.s32 $0xFFFFC180  }
0x4b: {  	[tilespmem:s22], [sflag:$0x2] =	stream.indirect.gather [hbm4b:s4+s20], $0x80, s0, s20, $0xb8;
	[tilespmem:$0x1E080] =	vst v63  }
0x4c: {  	_ =	swait.ge [sflag:s23], $0x3E80  }
0x4d: {  	[sflag:s23] =	ssyncset.done $0x0  }
0x4e: {  	s2 =	sadd.s32 $0x1400, s30;
	[sflag:s23] =	ssyncadd.s32 $0xFFFFC180  }
0x4f: {  	[spmem:s1] =	stream.indirect.scatter.add.f32 [tilespmem:s21], [sflag:$0x3], $0x80, s2, s20, $0xb8;
	[tilespmem:$0x1E080] =	vst v63  }
0x50: {  	_ =	swait.ge [sflag:s18], $0x3E80  }
0x51: {  	[sflag:s18] =	ssyncset.done $0x0  }
0x52: {  	s5 =	sadd.s32 $0x100, s30;
	[sflag:s18] =	ssyncadd.s32 $0xFFFFC180  }
0x53: {  	[tilespmem:s21], [sflag:$0x1] =	stream.indirect.gather [hbm4b:s4+s20], $0x80, s5, s20, $0xb8;
	[tilespmem:$0x1E080] =	vst v63  }
0x54: {  	_ =	swait.ge [sflag:s24], $0x3E80  }
0x55: {  	[sflag:s24] =	ssyncset.done $0x0  }
0x56: {  	s2 =	sadd.s32 $0x1480, s30;
	[sflag:s24] =	ssyncadd.s32 $0xFFFFC180  }
0x57: {  	[spmem:s1] =	stream.indirect.scatter.add.f32 [tilespmem:s22], [sflag:$0x3], $0x80, s2, s20, $0xb8;
	[tilespmem:$0x1E080] =	vst v63  }
0x58: {  	_ =	swait.ge [sflag:s18], $0x3E80  }
0x59: {  	[sflag:s18] =	ssyncset.done $0x0  }
0x5a: {  	[sflag:s18] =	ssyncadd.s32 $0xFFFFC180  }
0x5b: {  	[tilespmem:s22], [sflag:$0x2] =	stream.indirect.gather [hbm4b:s4+s20], $0x80, s25, s20, $0xb8;
	[tilespmem:$0x1E080] =	vst v63  }
0x5c: {  	_ =	swait.ge [sflag:s23], $0x3E80  }
0x5d: {  	[sflag:s23] =	ssyncset.done $0x0  }
0x5e: {  	[sflag:s23] =	ssyncadd.s32 $0xFFFFC180  }
0x5f: {  	[spmem:s1] =	stream.indirect.scatter.add.f32 [tilespmem:s21], [sflag:$0x3], $0x80, s26, s20, $0xb8;
	[tilespmem:$0x1E080] =	vst v63  }
0x60: {  	_ =	swait.ge [sflag:s18], $0x3E80  }
0x61: {  	[sflag:s18] =	ssyncset.done $0x0  }
0x62: {  	[sflag:s18] =	ssyncadd.s32 $0xFFFFC180  }
0x63: {  	_ =	swait.ge [sflag:s24], $0x3E80  }
0x64: {  	[sflag:s24] =	ssyncset.done $0x0  }
0x65: {  	[sflag:s24] =	ssyncadd.s32 $0xFFFFC180  }
0x66: {  	[spmem:s1] =	stream.indirect.scatter.add.f32 [tilespmem:s22], [sflag:$0x3], $0x80, s28, s20, $0xb8;
	[tilespmem:$0x1E080] =	vst v63  }
0x67: {  	_ =	swait.ge [sflag:s18], $0x3E80  }
0x68: {  	[sflag:s18] =	ssyncset.done $0x0  }
0x69: {  	s5 =	simm.s32 $0x0;
	[sflag:s18] =	ssyncadd.s32 $0xFFFFC180  }
0x6a: {  	[tilespmem:s5], [sflag:$0x3] =	stream.linear.gather [hbm4b:s10+s5], $0x1400, $0x38;
	[tilespmem:$0x1E080] =	vst v63  }
0x6b: {  	_ =	swait.ge [sflag:s18], $0x1400  }
0x6c: {  	[sflag:s18] =	ssyncset.done $0x0  }
0x6d: {  	[sflag:s18] =	ssyncadd.s32 $0xFFFFEC00  }
0x6e: {  	[tilespmem:s19], [sflag:$0x3] =	stream.linear.gather [hbm4b:s11+s5], $0x1400, $0x38;
	[tilespmem:$0x1E080] =	vst v63  }
0x6f: {  	_ =	swait.ge [sflag:s18], $0x1400  }
0x70: {  	[sflag:s18] =	ssyncset.done $0x0  }
0x71: {  	[sflag:s18] =	ssyncadd.s32 $0xFFFFEC00  }
0x72: {  	[tilespmem:s21], [sflag:$0x1] =	stream.indirect.gather [hbm4b:s4+s20], $0x80, s5, s20, $0xb8;
	[tilespmem:$0x1E080] =	vst v63  }
0x73: {  	s2 =	simm.s32 $0x80  }
0x74: {  	[tilespmem:s22], [sflag:$0x2] =	stream.indirect.gather [hbm4b:s4+s20], $0x80, s2, s20, $0xb8;
	[tilespmem:$0x1E080] =	vst v63  }
0x75: {  	_ =	swait.ge [sflag:s23], $0x3E80  }
0x76: {  	[sflag:s23] =	ssyncset.done $0x0  }
0x77: {  	s5 =	simm.s32 $0x1400;
	[sflag:s23] =	ssyncadd.s32 $0xFFFFC180  }
0x78: {  	[spmem:s1] =	stream.indirect.scatter.add.f32 [tilespmem:s21], [sflag:$0x3], $0x80, s5, s20, $0xb8;
	[tilespmem:$0x1E080] =	vst v63  }
0x79: {  	_ =	swait.ge [sflag:s18], $0x3E80  }
0x7a: {  	[sflag:s18] =	ssyncset.done $0x0  }
0x7b: {  	s2 =	simm.s32 $0x100;
	[sflag:s18] =	ssyncadd.s32 $0xFFFFC180  }
0x7c: {  	[tilespmem:s21], [sflag:$0x1] =	stream.indirect.gather [hbm4b:s4+s20], $0x80, s2, s20, $0xb8;
	[tilespmem:$0x1E080] =	vst v63  }
0x7d: {  	_ =	swait.ge [sflag:s24], $0x3E80  }
0x7e: {  	[sflag:s24] =	ssyncset.done $0x0  }
0x7f: {  	s5 =	simm.s32 $0x1480;
	[sflag:s24] =	ssyncadd.s32 $0xFFFFC180  }
0x80: {  	[spmem:s1] =	stream.indirect.scatter.add.f32 [tilespmem:s22], [sflag:$0x3], $0x80, s5, s20, $0xb8;
	[tilespmem:$0x1E080] =	vst v63  }
0x81: {  	_ =	swait.ge [sflag:s18], $0x3E80  }
0x82: {  	s31 =	simm.s32 $0x800;
	s30 =	simm.s32 $0x100;
	[sflag:s18] =	ssyncset.done $0x0  }
.LBB2_4:
0x83: {  	s0 =	sadd.s32 $0x80, s30  }
0x84: {  	[sflag:s18] =	ssyncadd.s32 $0xFFFFC180;
	s2 =	smov.u32 s31;
	s5 =	sadd.s32 $0x400, s31  }
0x85: {  	[tilespmem:s22], [sflag:$0x2] =	stream.indirect.gather [hbm4b:s4+s20], $0x80, s0, s20, $0xb8;
	[tilespmem:$0x1E080] =	vst v63  }
0x86: {  	p3 =	sne.s32 s31, $0x4800;
	_ =	swait.ge [sflag:s23], $0x3E80  }
0x87: {  	[sflag:s23] =	ssyncset.done $0x0  }
0x88: {  	s0 =	sadd.s32 $0x1400, s30;
	[sflag:s23] =	ssyncadd.s32 $0xFFFFC180  }
0x89: {  	[spmem:s1] =	stream.indirect.scatter.add.f32 [tilespmem:s21], [sflag:$0x3], $0x80, s0, s20, $0xb8;
	[tilespmem:$0x1E080] =	vst v63  }
0x8a: {  	_ =	swait.ge [sflag:s18], $0x3E80  }
0x8b: {  	[sflag:s18] =	ssyncset.done $0x0  }
0x8c: {  	s0 =	sadd.s32 $0x100, s30;
	[sflag:s18] =	ssyncadd.s32 $0xFFFFC180  }
0x8d: {  	[tilespmem:s21], [sflag:$0x1] =	stream.indirect.gather [hbm4b:s4+s20], $0x80, s0, s20, $0xb8;
	[tilespmem:$0x1E080] =	vst v63  }
0x8e: {  	_ =	swait.ge [sflag:s24], $0x3E80  }
.Ltmp1:
0x8f: {  	[sflag:s24] =	ssyncset.done $0x0;
	(pc) =	sbr.rel @p3 .LBB2_4-.Ltmp1, $4  }
0x90: {  	s0 =	sadd.s32 $0x1480, s30;
	[sflag:s24] =	ssyncadd.s32 $0xFFFFC180  }
0x91: {  	[spmem:s1] =	stream.indirect.scatter.add.f32 [tilespmem:s22], [sflag:$0x3], $0x80, s0, s20, $0xb8;
	[tilespmem:$0x1E080] =	vst v63  }
0x92: {  	_ =	swait.ge [sflag:s18], $0x3E80  }
0x93: {  	s31 =	smov.u32 s5;
	s30 =	sshra.s32 s2, $0x2;
	[sflag:s18] =	ssyncset.done $0x0  }
0x94: {  	s0 =	sadd.s32 $0x80, s30;
	[sflag:s18] =	ssyncadd.s32 $0xFFFFC180  }
0x95: {  	[tilespmem:s22], [sflag:$0x2] =	stream.indirect.gather [hbm4b:s4+s20], $0x80, s0, s20, $0xb8;
	[tilespmem:$0x1E080] =	vst v63  }
0x96: {  	_ =	swait.ge [sflag:s23], $0x3E80  }
0x97: {  	[sflag:s23] =	ssyncset.done $0x0  }
0x98: {  	s2 =	sadd.s32 $0x1400, s30;
	[sflag:s23] =	ssyncadd.s32 $0xFFFFC180  }
0x99: {  	[spmem:s1] =	stream.indirect.scatter.add.f32 [tilespmem:s21], [sflag:$0x3], $0x80, s2, s20, $0xb8;
	[tilespmem:$0x1E080] =	vst v63  }
0x9a: {  	_ =	swait.ge [sflag:s18], $0x3E80  }
0x9b: {  	[sflag:s18] =	ssyncset.done $0x0  }
0x9c: {  	s5 =	sadd.s32 $0x100, s30;
	[sflag:s18] =	ssyncadd.s32 $0xFFFFC180  }
0x9d: {  	[tilespmem:s21], [sflag:$0x1] =	stream.indirect.gather [hbm4b:s4+s20], $0x80, s5, s20, $0xb8;
	[tilespmem:$0x1E080] =	vst v63  }
0x9e: {  	_ =	swait.ge [sflag:s24], $0x3E80  }
0x9f: {  	[sflag:s24] =	ssyncset.done $0x0  }
0xa0: {  	s31 =	sadd.s32 $0x1480, s30;
	[sflag:s24] =	ssyncadd.s32 $0xFFFFC180  }
0xa1: {  	[spmem:s1] =	stream.indirect.scatter.add.f32 [tilespmem:s22], [sflag:$0x3], $0x80, s31, s20, $0xb8;
	[tilespmem:$0x1E080] =	vst v63  }
0xa2: {  	_ =	swait.ge [sflag:s18], $0x3E80  }
0xa3: {  	[sflag:s18] =	ssyncset.done $0x0  }
0xa4: {  	[sflag:s18] =	ssyncadd.s32 $0xFFFFC180  }
0xa5: {  	[tilespmem:s22], [sflag:$0x2] =	stream.indirect.gather [hbm4b:s4+s20], $0x80, s25, s20, $0xb8;
	[tilespmem:$0x1E080] =	vst v63  }
0xa6: {  	_ =	swait.ge [sflag:s23], $0x3E80  }
0xa7: {  	[sflag:s23] =	ssyncset.done $0x0  }
0xa8: {  	[sflag:s23] =	ssyncadd.s32 $0xFFFFC180  }
0xa9: {  	[spmem:s1] =	stream.indirect.scatter.add.f32 [tilespmem:s21], [sflag:$0x3], $0x80, s26, s20, $0xb8;
	[tilespmem:$0x1E080] =	vst v63  }
0xaa: {  	_ =	swait.ge [sflag:s18], $0x3E80  }
0xab: {  	[sflag:s18] =	ssyncset.done $0x0  }
0xac: {  	[sflag:s18] =	ssyncadd.s32 $0xFFFFC180  }
0xad: {  	_ =	swait.ge [sflag:s24], $0x3E80  }
0xae: {  	[sflag:s24] =	ssyncset.done $0x0  }
0xaf: {  	[sflag:s24] =	ssyncadd.s32 $0xFFFFC180  }
0xb0: {  	[spmem:s1] =	stream.indirect.scatter.add.f32 [tilespmem:s22], [sflag:$0x3], $0x80, s28, s20, $0xb8;
	[tilespmem:$0x1E080] =	vst v63  }
0xb1: {  	_ =	swait.ge [sflag:s18], $0x3E80  }
0xb2: {  	s29 =	sadd.s32 $0x1, s29;
	s0 =	stileid.u32;
	[sflag:s18] =	ssyncset.done $0x0  }
0xb3: {  	p3 =	sne.s32 s29, s13;
	s0 =	sshll.u32 @!p2 s0, $0x6;
	[sflag:s18] =	ssyncadd.s32 $0xFFFFC180  }
0xb4: {  	s0 =	sor.u32 @!p2 $0x1C03, s0;
	s2 =	sshrl.u32 @!p2 s6, $0x3;
	[bflag:$0x0] =	sbarrier.arrive $0xFFFF  }
0xb5: {  	[hbm:s12], [sflag:s0] =	dma.local @!p2 [spmem:s2], $0x3E80  }
.Ltmp2:
0xb6: {  	_ = 	snop;
	(pc) =	sbr.rel @p3 .LBB2_1-.Ltmp2, $4  }
0xb7: {  	s0 =	simm.s32 @!p2 $0x3  }
0xb8: {  	_ =	swait.ge @!p2 [sflag:s0], $0x3E80  }
0xb9: {  	[sflag:s0] =	ssyncset.done @!p2 $0x0  }
0xba: {  	[sflag:s0] =	ssyncadd.s32 @!p2 $0xFFFFC180  }
0xbb: {  	_ =	sfence.sel $0x180000  }
0xbc: {  	[bflag:$0x0] =	sbarrier.arrive $0xFFFF  }
0xbd: {  	_ =	strace $0x9000004A  }
0xbe: {  	s0 =	stileid.u32;
	[bflag:$0x2] =	sbarrier.arrive $0xFFFF  }
0xbf: {  	p0 =	sne.s32 s0, $0x0;
	s0 =	rddreg [dreg:$0x2]  }
0xc0: {  	s0 =	sadd.s32 @!p0 $0x100000, s0  }
0xc1: {  	[sflag:s0] =	ssyncadd.tile.s32 @!p0 $0x1;
	_ =	shalt  }
.Lfunc_end2:
_tile_overlayer_lowered:
.L_overlay_start_2:
0xc2: {  	(tag) =	ssettag $0x2  }
0xc3: {  	s0 =	rddreg [dreg:$0x0];
	s2 =	stileid.u32  }
0xc4: {  	s1 =	rddreg [dreg:$0x1];
	p0 =	sne.s32 s2, $0x0  }
0xc5: {  	s3 =	rddreg [dreg:$0x2];
	[bflag:$0x3] =	sbarrier.arrive $0xFFFF;
	s2 =	simm.s32 @!p0 $0x1C03  }
0xc6: {  	[timem:s3], [sflag:s2] =	dma.local @!p0 [hbm:s0], s1  }
0xc7: {  	s0 =	simm.s32 @!p0 $0x3  }
0xc8: {  	_ =	swait.ge @!p0 [sflag:s0], s1  }
0xc9: {  	s1 =	ssub.s32 @!p0 $0x0, s1;
	[sflag:s0] =	ssyncset.done @!p0 $0x0  }
0xca: {  	[sflag:s0] =	ssyncadd.s32 @!p0 s1  }
0xcb: {  	[bflag:$0x3] =	sbarrier.arrive $0xFFFF  }
0xcc: {  	_ =	shalt  }

// kernel: kernel.14.cloned.1.call-start
scs
__scs_entry_jumppad:
0x0: {  	(pc) =	sbr.rel $0x88, $3  }
0x1: {  	(tag) =	ssettag $0x0;
	lr =	simm.s32 $0x1  }
0x2: {  	[smem:$0x3F96] =	sst lr;
	_ =	strace $0xD0000000  }
0x3: {  	_ = 	snop  }
0x4: {  	_ = 	snop  }
0x5: {  	_ = 	snop  }
0x6: {  	_ = 	snop  }
0x7: {  	_ = 	snop  }
__scs_overlays_trampoline_lowered:
0x8: {  	[smem:$0x3FA5] =	sst s0  }
0x9: {  	[smem:$0x3FA6] =	sst s1  }
0xa: {  	[smem:$0x3FA7] =	sst s2  }
0xb: {  	[smem:$0x3FA8] =	sst s3  }
0xc: {  	[smem:$0x3FA9] =	sst s4  }
0xd: {  	[smem:$0x3FAA] =	sst s5  }
0xe: {  	[smem:$0x3FAB] =	sst s6  }
0xf: {  	[smem:$0x3FAC] =	sst s7  }
0x10: {  	[smem:$0x3FAD] =	sst s8  }
0x11: {  	[smem:$0x3FAE] =	sst s9;
	s0 =	simm.s32 @!p0 $0x0  }
0x12: {  	s1 =	sld [smem:$0x3F94];
	s0 =	simm.s32 @p0 $0x1  }
0x13: {  	[smem:$0x3FAF] =	sst s0;
	s0 =	simm.s32 @!p1 $0x0  }
0x14: {  	s2 =	sld [smem:$0x3F93];
	s0 =	simm.s32 @p1 $0x1  }
0x15: {  	[smem:$0x3FB0] =	sst s0;
	s0 =	simm.s32 @!p2 $0x0  }
0x16: {  	s3 =	sld [smem:$0x3FDB];
	s0 =	simm.s32 @p2 $0x1  }
0x17: {  	s4 =	simm.s32 $0x1BF5;
	[smem:$0x3FB2] =	sst s0  }
0x18: {  	s0 =	sld [smem:$0x3F95];
	_ =	swait.ge [sflag:s4], $0x0  }
0x19: {  	s7 =	sld [smem:$0x3F96]  }
0x1a: {  	s8 =	sadd.s32 $0xFFFFE003, lr  }
0x1b: {  	s9 =	sadd.s32 $0xFFFFFEF7, lr;
	s5 =	simm.s32 $0xFFFFFFFF;
	p2 =	slt.u32 s8, $0xFFFFF086  }
0x1c: {  	p1 =	slt.u32 s9, $0xF7A;
	s5 =	simm.s32 @!p2 $0x0  }
0x1d: {  	s5 =	simm.s32 @p1 $0x1;
	p0 =	seq.s32 s7, s2  }
0x1e: {  	s7 =	smul.u32 @!p0 $0xF7A, s2;
	p2 =	seq.s32 @!p0 s5, $0x0  }
0x1f: {  	s9 =	smul.u32 $0xF7A, s1;
	s8 =	simm.s32 @!p0 $0x1BF5;
	p2 =	por !p2, p0  }
0x20: {  	[sflag:s8] =	ssyncset.s32 @!p0 $0xFFFFF086;
	s6 =	sadd.s32 @!p0 s3, s7;
	s7 =	simm.s32 @!p0 $0x108  }
0x21: {  	s3 =	sadd.s32 s3, s9;
	s6 =	sadd.s32 @!p0 $0x88, s6;
	s7 =	simm.s32 @p2 $0x1082  }
0x22: {  	[simem:s7], [sflag:s8] =	dma.local @!p0 [hbm:s6], $0xF7A  }
0x23: {  	s9 =	sor.u32 $0xD0000000, s2;
	s6 =	simm.s32 $0x108;
	_ =	swait.ge @!p0 [sflag:s8], $0x0  }
0x24: {  	s3 =	sadd.s32 $0x88, s3;
	s6 =	simm.s32 @!p1 $0x1082;
	[sflag:s4] =	ssyncset.s32 $0xFFFFF086  }
0x25: {  	[simem:s6], [sflag:s4] =	dma.local [hbm:s3], $0xF7A  }
0x26: {  	[smem:$0x3F96] =	sst s1;
	(tag) =	ssettag s2;
	_ =	strace s9  }
0x27: {  	s1 =	sld [smem:$0x3FA6]  }
0x28: {  	s2 =	sld [smem:$0x3FA7]  }
0x29: {  	s4 =	sld [smem:$0x3FA9]  }
0x2a: {  	p0 =	seq.s32 s5, $0x0;
	s5 =	sld [smem:$0x3FAA]  }
0x2b: {  	s6 =	sld [smem:$0x3FAB]  }
0x2c: {  	s7 =	sld [smem:$0x3FAC]  }
0x2d: {  	s3 =	simm.s32 $0x108;
	s8 =	sld [smem:$0x3FAD]  }
0x2e: {  	s3 =	simm.s32 @!p0 $0x1082;
	s9 =	sld [smem:$0x3FAE]  }
0x2f: {  	lr =	sadd.s32 s0, s3;
	s0 =	sld [smem:$0x3FA5]  }
0x30: {  	s3 =	sld [smem:$0x3FA8]  }
0x31: {  	[smem:$0x3FB1] =	sst s10  }
0x32: {  	s10 =	sld [smem:$0x3FAF];
	_ =	sdelay $0x3  }
0x33: {  	p0 =	seq.s32 s10, $0x1;
	s10 =	sld [smem:$0x3FB1];
	_ =	sdelay $0x3  }
0x34: {  	[smem:$0x3FB1] =	sst s10  }
0x35: {  	s10 =	sld [smem:$0x3FB0];
	_ =	sdelay $0x3  }
0x36: {  	p1 =	seq.s32 s10, $0x1;
	s10 =	sld [smem:$0x3FB1];
	_ =	sdelay $0x3  }
0x37: {  	[smem:$0x3FB1] =	sst s10  }
0x38: {  	s10 =	sld [smem:$0x3FB2]  }
0x39: {  	_ = 	snop;
	(pc) =	sbr.ind lr, $3  }
0x3a: {  	_ = 	snop  }
0x3b: {  	_ = 	snop  }
0x3c: {  	p2 =	seq.s32 s10, $0x1;
	s10 =	sld [smem:$0x3FB1]  }
0x3d: {  	_ =	shalt  }
0x3e: {  	_ =	shalt  }
0x3f: {  	_ =	shalt  }
0x40: {  	_ =	shalt  }
0x41: {  	_ =	shalt  }
0x42: {  	_ =	shalt  }
0x43: {  	_ =	shalt  }
0x44: {  	_ =	shalt  }
0x45: {  	_ =	shalt  }
0x46: {  	_ =	shalt  }
0x47: {  	_ =	shalt  }
0x48: {  	_ =	shalt  }
0x49: {  	_ =	shalt  }
0x4a: {  	_ =	shalt  }
0x4b: {  	_ =	shalt  }
0x4c: {  	_ =	shalt  }
0x4d: {  	_ =	shalt  }
0x4e: {  	_ =	shalt  }
0x4f: {  	_ =	shalt  }
0x50: {  	_ =	shalt  }
0x51: {  	_ =	shalt  }
0x52: {  	_ =	shalt  }
0x53: {  	_ =	shalt  }
0x54: {  	_ =	shalt  }
0x55: {  	_ =	shalt  }
0x56: {  	_ =	shalt  }
0x57: {  	_ =	shalt  }
0x58: {  	_ =	shalt  }
0x59: {  	_ =	shalt  }
0x5a: {  	_ =	shalt  }
0x5b: {  	_ =	shalt  }
0x5c: {  	_ =	shalt  }
0x5d: {  	_ =	shalt  }
0x5e: {  	_ =	shalt  }
0x5f: {  	_ =	shalt  }
0x60: {  	_ =	shalt  }
0x61: {  	_ =	shalt  }
0x62: {  	_ =	shalt  }
0x63: {  	_ =	shalt  }
0x64: {  	_ =	shalt  }
0x65: {  	_ =	shalt  }
0x66: {  	_ =	shalt  }
0x67: {  	_ =	shalt  }
0x68: {  	_ =	shalt  }
0x69: {  	_ =	shalt  }
0x6a: {  	_ =	shalt  }
0x6b: {  	_ =	shalt  }
0x6c: {  	_ =	shalt  }
0x6d: {  	_ =	shalt  }
0x6e: {  	_ =	shalt  }
0x6f: {  	_ =	shalt  }
0x70: {  	_ =	shalt  }
0x71: {  	_ =	shalt  }
0x72: {  	_ =	shalt  }
0x73: {  	_ =	shalt  }
0x74: {  	_ =	shalt  }
0x75: {  	_ =	shalt  }
0x76: {  	_ =	shalt  }
0x77: {  	_ =	shalt  }
0x78: {  	_ =	shalt  }
0x79: {  	_ =	shalt  }
0x7a: {  	_ =	shalt  }
0x7b: {  	_ =	shalt  }
0x7c: {  	_ =	shalt  }
0x7d: {  	_ =	shalt  }
0x7e: {  	_ =	shalt  }
0x7f: {  	_ =	shalt  }
0x80: {  	_ =	shalt  }
0x81: {  	_ =	shalt  }
0x82: {  	_ =	shalt  }
0x83: {  	_ =	shalt  }
0x84: {  	_ =	shalt  }
0x85: {  	_ =	shalt  }
0x86: {  	_ =	shalt  }
0x87: {  	_ =	shalt  }
.Lfunc_end0:
.L_simem_size_0:
called_computation.2_lowered:
.L_overlay_start_0:
0x88: {  	s2 =	sld [smem:$0x3FD9]  }
0x89: {  	s3 =	sld [smem:$0x3FFE];
	_ =	sdelay $0x1  }
0x8a: {  	s1 =	srdreg.scid  }
0x8b: {  	s0 =	sand.u32 $0x1, s1  }
0x8c: {  	s16 =	sshll.u32 s0, $0xA;
	s2 =	sadd.s32 s3, s2  }
0x8d: {  	s2 =	sadd.s32 s2, s16  }
0x8e: {  	[smem:$0x3FBD] =	sst s2  }
0x8f: {  	_ = 	snop  }
0x90: {  	(tm) =	ssettm $0x1  }
0x91: {  	s17 =	sld [smem:$0x3FFB];
	_ =	sdelay $0x3  }
0x92: {  	_ =	strace s17  }
0x93: {  	s2 =	sld [smem:$0x3FFC];
	_ =	sdelay $0x3  }
0x94: {  	_ =	strace s2  }
0x95: {  	s2 =	sld [smem:$0x3FFD];
	_ =	sdelay $0x3  }
0x96: {  	_ =	strace s2  }
0x97: {  	_ =	strace $0x8FFFFFFF  }
0x98: {  	s18 =	sld [smem:$0x3FDB];
	_ =	sdelay $0x1  }
0x99: {  	s19 =	simm.s32 $_scs_section_size  }
0x9a: {  	s4 =	simm.s32 $_size__tile_overlayer_lowered;
	s5 =	simm.s32 $_tile_overlayer_lowered  }
0x9b: {  	s22 =	simm.s32 $0x1BFF;
	s21 =	sshll.u32 s5, $0x1;
	s2 =	sadd.s32 s19, s18  }
0x9c: {  	s6 =	simm.s32 $0x0;
	s20 =	sshll.u32 s4, $0x1;
	s4 =	sadd.s32 s21, s2  }
0x9d: {  	[timem:s6], [sflag:s22] =	dma.local [hbm:s4], s20  }
0x9e: {  	_ =	swait.ge [sflag:s22], s20  }
0x9f: {  	s3 =	ssub.s32 $0x0, s20;
	[sflag:s22] =	ssyncset.done $0x0  }
0xa0: {  	[sflag:s22] =	ssyncadd.s32 s3;
	_ =	sdelay $0x1  }
0xa1: {  	s23 =	simm.s32 $0x1B8B  }
0xa2: {  	_ =	swait.ge [sflag:s23], $0x1  }
0xa3: {  	[sflag:s23] =	ssyncset.done $0x0  }
0xa4: {  	s25 =	simm.s32 $0x1B8E;
	s24 =	sld [smem:$0x3FFE];
	[sflag:s23] =	ssyncadd.s32 $0xFFFFFFFF  }
0xa5: {  	s26 =	simm.s32 $execute0_lowered;
	[smem:$0x3FD2] =	sst s25  }
0xa6: {  	s4 =	sshll.u32 s26, $0x1;
	_ =	strace $0x8000004C;
	[dreg:$0x1] =	wrdreg $0xFFFFFFFF  }
0xa7: {  	s28 =	simm.s32 $_size_execute0_lowered;
	s2 =	sadd.s32 s2, s4;
	[dreg:$0x0] =	wrdreg $0x0  }
0xa8: {  	s4 =	sshll.u32 s28, $0x1;
	[dreg:$0x2] =	wrdreg s2  }
0xa9: {  	[dreg:$0x3] =	wrdreg s4  }
0xaa: {  	[dreg:$0x4] =	wrdreg $0xC0  }
0xab: {  	_ =	task [dreg:s6], $0x5FFFF  }
0xac: {  	[dreg:$0x1] =	wrdreg $0xFFFFFFFF  }
0xad: {  	[dreg:$0x0] =	wrdreg $0x60  }
0xae: {  	[dreg:$0x2] =	wrdreg s24  }
0xaf: {  	[dreg:$0x3] =	wrdreg $0xA8000  }
0xb0: {  	[dreg:$0x4] =	wrdreg $0x9  }
0xb1: {  	_ =	task.clear_ibuf [dreg:s6], $0x5FFFF;
	_ =	strace $0x9000004C  }
0xb2: {  	s29 =	simm.s32 $0x9;
	_ =	strace $0x8000004E  }
0xb3: {  	_ =	swait.ge [sflag:s29], $0x1  }
0xb4: {  	[sflag:s29] =	ssyncadd.s32 $0xFFFFFFFF  }
0xb5: {  	_ =	strace $0x9000004E  }
0xb6: {  	_ =	sfence  }
0xb7: {  	s30 =	sld [smem:$0x0];
	_ =	sdelay $0x2  }
0xb8: {  	s31 =	sshll.u32 s1, $0xD;
	s1 =	sshrl.u32 s1, $0x2  }
0xb9: {  	s3 =	sand.u32 $0x4000, s31;
	s1 =	sadd.s32 s1, s30  }
0xba: {  	s0 =	sor.u32 s3, s0;
	s1 =	sshll.u32 s1, $0x11  }
0xbb: {  	s0 =	sor.u32 s1, s0  }
0xbc: {  	s0 =	sadd.s32 $0x8F2B, s0  }
0xbd: {  	[sflag:s0] =	ssyncadd.remote.s32 $0x1  }
0xbe: {  	_ =	sfence.sel $0xFFFF  }
0xbf: {  	[dreg:$0x0] =	wrdreg $0xFFFFFFFF;
	(pc) =	sbr.abs _section_cstart, $3  }
0xc0: {  	[dreg:$0x1] =	wrdreg $0xFFFFFFFF  }
0xc1: {  	_ =	task.clear_ibuf [dreg:s6], $0x2FFFF;
	_ =	strace $0x9FFFFFFF  }
0xc2: {  	(tm) =	ssettm $0x7FFFFFFF  }
0xc3: {  	_ =	shalt  }
tec
execute0_lowered:
.L_overlay_start_1:
0x0: {  	(tag) =	ssettag $0x1  }
0x1: {  	s6 =	rddreg [dreg:$0x0]  }
0x2: {  	s1 =	rddreg [dreg:$0x1]  }
0x3: {  	s2 =	srdreg.scid;
	s3 =	simm.s32 $0x0;
	s0 =	stileid.u32  }
0x4: {  	s18 =	simm.s32 $0x3;
	s19 =	simm.s32 $0x1400;
	s20 =	simm.s32 $0x7D  }
0x5: {  	s21 =	simm.s32 $0x2800;
	s22 =	simm.s32 $0x6800;
	s28 =	simm.s32 $0x2780  }
0x6: {  	s29 =	simm.s32 $0x0;
	s7 =	sand.u32 $0x1, s2;
	s8 =	smul.u32 $0x1F400, s0  }
0x7: {  	[smem:$0x7FF] =	sst s3;
	s4 =	sadd.s32 $0x21C00, s6;
	s13 =	smul.u32 $0x7D000, s0  }
0x8: {  	s10 =	sadd.s32 $0x17C00, s6;
	s11 =	sadd.s32 $0xDC00, s6;
	s30 =	smul.u32 $0x3E80, s0  }
0x9: {  	s23 =	sadd.s32 $0x2A00, s6;
	p1 =	slt.u32 s0, $0xA;
	s5 =	smul.u32 $0x138800, s7  }
0xa: {  	_ =	strace $0x8000004D;
	s9 =	ssub.s32 $0x2, s7;
	[dreg:$0x3] =	wrdreg s23  }
0xb: {  	s25 =	sshll.u32 s7, $0x4;
	p0 =	seq.s32 s7, $0x0;
	p2 =	seq.s32 s7, $0x1  }
0xc: {  	s23 =	simm.s32 $0x1;
	s24 =	sshrl.u32 s9, $0x1;
	p0 =	por !p1, !p0  }
0xd: {  	s26 =	sshrl.u32 s13, $0x2;
	p1 =	por !p1, !p2;
	s7 =	sadd.s32 s4, s30  }
0xe: {  	p2 =	sgt.u32 s0, $0x9;
	s5 =	sadd.s32 s8, s5;
	s14 =	ssub.s32 s9, s24  }
0xf: {  	p0 =	por !p0, !p0;
	p1 =	por !p1, !p1;
	s8 =	sshrl.u32 s5, $0x3  }
0x10: {  	s24 =	simm.s32 $0x2;
	s12 =	sadd.s32 s8, s6;
	s8 =	sor.u32 s0, s25  }
0x11: {  	s13 =	smax.u32 s14, $0x1;
	s16 =	sshll.u32 @p1 s0, $0x6;
	s8 =	smul.u32 $0x2800, s8  }
0x12: {  	s6 =	sadd.s32 s26, s1;
	s16 =	sor.u32 @p1 $0x1C03, s16;
	s25 =	simm.s32 $0x1380  }
0x13: {  	s26 =	simm.s32 $0x2700;
	s12 =	sadd.s32 $0x48E00, s12;
	s31 =	sshrl.u32 s8, $0x3  }
0x14: {  	s15 =	sadd.s32 $0x280, s31;
	s8 =	sadd.s32 s10, s31;
	s9 =	sadd.s32 s11, s31  }
0x15: {  	s10 =	sadd.s32 s10, s15;
	s11 =	sadd.s32 s11, s15;
	s15 =	sshll.u32 @p0 s0, $0x6  }
0x16: {  	s17 =	sshrl.u32 @p1 s6, $0x3;
	s14 =	sor.u32 @p0 $0x1C03, s15;
	s15 =	sshrl.u32 @p0 s6, $0x3  }
.LBB2_1:
0x17: {  	[spmem:s15], [sflag:s14] =	dma.local @p0 [hbm:s7], $0x3E80  }
0x18: {  	s30 =	simm.s32 @p0 $0x3  }
0x19: {  	_ =	swait.ge @p0 [sflag:s30], $0x3E80  }
0x1a: {  	[sflag:s30] =	ssyncset.done @p0 $0x0  }
0x1b: {  	s0 =	rddreg [dreg:$0x3];
	[sflag:s30] =	ssyncadd.s32 @p0 $0xFFFFC180;
	s30 =	simm.s32 @p1 $0x3  }
0x1c: {  	[spmem:s17], [sflag:s16] =	dma.local @p1 [hbm:s0], $0x3E80  }
0x1d: {  	_ =	swait.ge @p1 [sflag:s30], $0x3E80  }
0x1e: {  	[sflag:s30] =	ssyncset.done @p1 $0x0  }
0x1f: {  	[sflag:s30] =	ssyncadd.s32 @p1 $0xFFFFC180  }
0x20: {  	[tilespmem:s3], [sflag:$0x3] =	stream.linear.gather [hbm4b:s8+s3], $0x1400, $0x38;
	[tilespmem:$0x1E080] =	vst v63  }
0x21: {  	_ =	swait.ge [sflag:s18], $0x1400  }
0x22: {  	[sflag:s18] =	ssyncset.done $0x0  }
0x23: {  	[sflag:s18] =	ssyncadd.s32 $0xFFFFEC00  }
0x24: {  	[tilespmem:s19], [sflag:$0x3] =	stream.linear.gather [hbm4b:s9+s3], $0x1400, $0x38;
	[tilespmem:$0x1E080] =	vst v63  }
0x25: {  	_ =	swait.ge [sflag:s18], $0x1400  }
0x26: {  	[sflag:s18] =	ssyncset.done $0x0  }
0x27: {  	[sflag:s18] =	ssyncadd.s32 $0xFFFFEC00  }
0x28: {  	[tilespmem:s21], [sflag:$0x1] =	stream.indirect.gather [hbm4b:s4+s20], $0x80, s3, s20, $0xb8;
	[tilespmem:$0x1E080] =	vst v63  }
0x29: {  	s30 =	simm.s32 $0x80;
	[bflag:$0x0] =	sbarrier.arrive $0xFFFF  }
0x2a: {  	[tilespmem:s22], [sflag:$0x2] =	stream.indirect.gather [hbm4b:s4+s20], $0x80, s30, s20, $0xb8;
	[tilespmem:$0x1E080] =	vst v63  }
0x2b: {  	_ =	swait.ge [sflag:s23], $0x3E80  }
0x2c: {  	[sflag:s23] =	ssyncset.done $0x0  }
0x2d: {  	s30 =	simm.s32 $0x1400;
	[sflag:s23] =	ssyncadd.s32 $0xFFFFC180  }
0x2e: {  	[spmem:s1] =	stream.indirect.scatter.add.f32 [tilespmem:s21], [sflag:$0x3], $0x80, s30, s20, $0xb8;
	[tilespmem:$0x1E080] =	vst v63  }
0x2f: {  	_ =	swait.ge [sflag:s18], $0x3E80  }
0x30: {  	[sflag:s18] =	ssyncset.done $0x0  }
0x31: {  	s30 =	simm.s32 $0x100;
	[sflag:s18] =	ssyncadd.s32 $0xFFFFC180  }
0x32: {  	[tilespmem:s21], [sflag:$0x1] =	stream.indirect.gather [hbm4b:s4+s20], $0x80, s30, s20, $0xb8;
	[tilespmem:$0x1E080] =	vst v63  }
0x33: {  	_ =	swait.ge [sflag:s24], $0x3E80  }
0x34: {  	[sflag:s24] =	ssyncset.done $0x0  }
0x35: {  	s30 =	simm.s32 $0x1480;
	[sflag:s24] =	ssyncadd.s32 $0xFFFFC180  }
0x36: {  	[spmem:s1] =	stream.indirect.scatter.add.f32 [tilespmem:s22], [sflag:$0x3], $0x80, s30, s20, $0xb8;
	[tilespmem:$0x1E080] =	vst v63  }
0x37: {  	_ =	swait.ge [sflag:s18], $0x3E80  }
0x38: {  	s31 =	simm.s32 $0x800;
	s30 =	simm.s32 $0x100;
	[sflag:s18] =	ssyncset.done $0x0  }
.LBB2_2:
0x39: {  	s0 =	sadd.s32 $0x80, s30  }
0x3a: {  	[sflag:s18] =	ssyncadd.s32 $0xFFFFC180;
	s2 =	smov.u32 s31;
	s5 =	sadd.s32 $0x400, s31  }
0x3b: {  	[tilespmem:s22], [sflag:$0x2] =	stream.indirect.gather [hbm4b:s4+s20], $0x80, s0, s20, $0xb8;
	[tilespmem:$0x1E080] =	vst v63  }
0x3c: {  	p3 =	sne.s32 s31, $0x4800;
	_ =	swait.ge [sflag:s23], $0x3E80  }
0x3d: {  	[sflag:s23] =	ssyncset.done $0x0  }
0x3e: {  	s0 =	sadd.s32 $0x1400, s30;
	[sflag:s23] =	ssyncadd.s32 $0xFFFFC180  }
0x3f: {  	[spmem:s1] =	stream.indirect.scatter.add.f32 [tilespmem:s21], [sflag:$0x3], $0x80, s0, s20, $0xb8;
	[tilespmem:$0x1E080] =	vst v63  }
0x40: {  	_ =	swait.ge [sflag:s18], $0x3E80  }
0x41: {  	[sflag:s18] =	ssyncset.done $0x0  }
0x42: {  	s0 =	sadd.s32 $0x100, s30;
	[sflag:s18] =	ssyncadd.s32 $0xFFFFC180  }
0x43: {  	[tilespmem:s21], [sflag:$0x1] =	stream.indirect.gather [hbm4b:s4+s20], $0x80, s0, s20, $0xb8;
	[tilespmem:$0x1E080] =	vst v63  }
0x44: {  	_ =	swait.ge [sflag:s24], $0x3E80  }
.Ltmp0:
0x45: {  	[sflag:s24] =	ssyncset.done $0x0;
	(pc) =	sbr.rel @p3 .LBB2_2-.Ltmp0, $4  }
0x46: {  	s0 =	sadd.s32 $0x1480, s30;
	[sflag:s24] =	ssyncadd.s32 $0xFFFFC180  }
0x47: {  	[spmem:s1] =	stream.indirect.scatter.add.f32 [tilespmem:s22], [sflag:$0x3], $0x80, s0, s20, $0xb8;
	[tilespmem:$0x1E080] =	vst v63  }
0x48: {  	_ =	swait.ge [sflag:s18], $0x3E80  }
0x49: {  	s31 =	smov.u32 s5;
	s30 =	sshra.s32 s2, $0x2;
	[sflag:s18] =	ssyncset.done $0x0  }
0x4a: {  	s0 =	sadd.s32 $0x80, s30;
	[sflag:s18] =	ssyncadd.s32 $0xFFFFC180  }
0x4b: {  	[tilespmem:s22], [sflag:$0x2] =	stream.indirect.gather [hbm4b:s4+s20], $0x80, s0, s20, $0xb8;
	[tilespmem:$0x1E080] =	vst v63  }
0x4c: {  	_ =	swait.ge [sflag:s23], $0x3E80  }
0x4d: {  	[sflag:s23] =	ssyncset.done $0x0  }
0x4e: {  	s2 =	sadd.s32 $0x1400, s30;
	[sflag:s23] =	ssyncadd.s32 $0xFFFFC180  }
0x4f: {  	[spmem:s1] =	stream.indirect.scatter.add.f32 [tilespmem:s21], [sflag:$0x3], $0x80, s2, s20, $0xb8;
	[tilespmem:$0x1E080] =	vst v63  }
0x50: {  	_ =	swait.ge [sflag:s18], $0x3E80  }
0x51: {  	[sflag:s18] =	ssyncset.done $0x0  }
0x52: {  	s5 =	sadd.s32 $0x100, s30;
	[sflag:s18] =	ssyncadd.s32 $0xFFFFC180  }
0x53: {  	[tilespmem:s21], [sflag:$0x1] =	stream.indirect.gather [hbm4b:s4+s20], $0x80, s5, s20, $0xb8;
	[tilespmem:$0x1E080] =	vst v63  }
0x54: {  	_ =	swait.ge [sflag:s24], $0x3E80  }
0x55: {  	[sflag:s24] =	ssyncset.done $0x0  }
0x56: {  	s2 =	sadd.s32 $0x1480, s30;
	[sflag:s24] =	ssyncadd.s32 $0xFFFFC180  }
0x57: {  	[spmem:s1] =	stream.indirect.scatter.add.f32 [tilespmem:s22], [sflag:$0x3], $0x80, s2, s20, $0xb8;
	[tilespmem:$0x1E080] =	vst v63  }
0x58: {  	_ =	swait.ge [sflag:s18], $0x3E80  }
0x59: {  	[sflag:s18] =	ssyncset.done $0x0  }
0x5a: {  	[sflag:s18] =	ssyncadd.s32 $0xFFFFC180  }
0x5b: {  	[tilespmem:s22], [sflag:$0x2] =	stream.indirect.gather [hbm4b:s4+s20], $0x80, s25, s20, $0xb8;
	[tilespmem:$0x1E080] =	vst v63  }
0x5c: {  	_ =	swait.ge [sflag:s23], $0x3E80  }
0x5d: {  	[sflag:s23] =	ssyncset.done $0x0  }
0x5e: {  	[sflag:s23] =	ssyncadd.s32 $0xFFFFC180  }
0x5f: {  	[spmem:s1] =	stream.indirect.scatter.add.f32 [tilespmem:s21], [sflag:$0x3], $0x80, s26, s20, $0xb8;
	[tilespmem:$0x1E080] =	vst v63  }
0x60: {  	_ =	swait.ge [sflag:s18], $0x3E80  }
0x61: {  	[sflag:s18] =	ssyncset.done $0x0  }
0x62: {  	[sflag:s18] =	ssyncadd.s32 $0xFFFFC180  }
0x63: {  	_ =	swait.ge [sflag:s24], $0x3E80  }
0x64: {  	[sflag:s24] =	ssyncset.done $0x0  }
0x65: {  	[sflag:s24] =	ssyncadd.s32 $0xFFFFC180  }
0x66: {  	[spmem:s1] =	stream.indirect.scatter.add.f32 [tilespmem:s22], [sflag:$0x3], $0x80, s28, s20, $0xb8;
	[tilespmem:$0x1E080] =	vst v63  }
0x67: {  	_ =	swait.ge [sflag:s18], $0x3E80  }
0x68: {  	[sflag:s18] =	ssyncset.done $0x0  }
0x69: {  	s5 =	simm.s32 $0x0;
	[sflag:s18] =	ssyncadd.s32 $0xFFFFC180  }
0x6a: {  	[tilespmem:s5], [sflag:$0x3] =	stream.linear.gather [hbm4b:s10+s5], $0x1400, $0x38;
	[tilespmem:$0x1E080] =	vst v63  }
0x6b: {  	_ =	swait.ge [sflag:s18], $0x1400  }
0x6c: {  	[sflag:s18] =	ssyncset.done $0x0  }
0x6d: {  	[sflag:s18] =	ssyncadd.s32 $0xFFFFEC00  }
0x6e: {  	[tilespmem:s19], [sflag:$0x3] =	stream.linear.gather [hbm4b:s11+s5], $0x1400, $0x38;
	[tilespmem:$0x1E080] =	vst v63  }
0x6f: {  	_ =	swait.ge [sflag:s18], $0x1400  }
0x70: {  	[sflag:s18] =	ssyncset.done $0x0  }
0x71: {  	[sflag:s18] =	ssyncadd.s32 $0xFFFFEC00  }
0x72: {  	[tilespmem:s21], [sflag:$0x1] =	stream.indirect.gather [hbm4b:s4+s20], $0x80, s5, s20, $0xb8;
	[tilespmem:$0x1E080] =	vst v63  }
0x73: {  	s2 =	simm.s32 $0x80  }
0x74: {  	[tilespmem:s22], [sflag:$0x2] =	stream.indirect.gather [hbm4b:s4+s20], $0x80, s2, s20, $0xb8;
	[tilespmem:$0x1E080] =	vst v63  }
0x75: {  	_ =	swait.ge [sflag:s23], $0x3E80  }
0x76: {  	[sflag:s23] =	ssyncset.done $0x0  }
0x77: {  	s5 =	simm.s32 $0x1400;
	[sflag:s23] =	ssyncadd.s32 $0xFFFFC180  }
0x78: {  	[spmem:s1] =	stream.indirect.scatter.add.f32 [tilespmem:s21], [sflag:$0x3], $0x80, s5, s20, $0xb8;
	[tilespmem:$0x1E080] =	vst v63  }
0x79: {  	_ =	swait.ge [sflag:s18], $0x3E80  }
0x7a: {  	[sflag:s18] =	ssyncset.done $0x0  }
0x7b: {  	s2 =	simm.s32 $0x100;
	[sflag:s18] =	ssyncadd.s32 $0xFFFFC180  }
0x7c: {  	[tilespmem:s21], [sflag:$0x1] =	stream.indirect.gather [hbm4b:s4+s20], $0x80, s2, s20, $0xb8;
	[tilespmem:$0x1E080] =	vst v63  }
0x7d: {  	_ =	swait.ge [sflag:s24], $0x3E80  }
0x7e: {  	[sflag:s24] =	ssyncset.done $0x0  }
0x7f: {  	s5 =	simm.s32 $0x1480;
	[sflag:s24] =	ssyncadd.s32 $0xFFFFC180  }
0x80: {  	[spmem:s1] =	stream.indirect.scatter.add.f32 [tilespmem:s22], [sflag:$0x3], $0x80, s5, s20, $0xb8;
	[tilespmem:$0x1E080] =	vst v63  }
0x81: {  	_ =	swait.ge [sflag:s18], $0x3E80  }
0x82: {  	s31 =	simm.s32 $0x800;
	s30 =	simm.s32 $0x100;
	[sflag:s18] =	ssyncset.done $0x0  }
.LBB2_4:
0x83: {  	s0 =	sadd.s32 $0x80, s30  }
0x84: {  	[sflag:s18] =	ssyncadd.s32 $0xFFFFC180;
	s2 =	smov.u32 s31;
	s5 =	sadd.s32 $0x400, s31  }
0x85: {  	[tilespmem:s22], [sflag:$0x2] =	stream.indirect.gather [hbm4b:s4+s20], $0x80, s0, s20, $0xb8;
	[tilespmem:$0x1E080] =	vst v63  }
0x86: {  	p3 =	sne.s32 s31, $0x4800;
	_ =	swait.ge [sflag:s23], $0x3E80  }
0x87: {  	[sflag:s23] =	ssyncset.done $0x0  }
0x88: {  	s0 =	sadd.s32 $0x1400, s30;
	[sflag:s23] =	ssyncadd.s32 $0xFFFFC180  }
0x89: {  	[spmem:s1] =	stream.indirect.scatter.add.f32 [tilespmem:s21], [sflag:$0x3], $0x80, s0, s20, $0xb8;
	[tilespmem:$0x1E080] =	vst v63  }
0x8a: {  	_ =	swait.ge [sflag:s18], $0x3E80  }
0x8b: {  	[sflag:s18] =	ssyncset.done $0x0  }
0x8c: {  	s0 =	sadd.s32 $0x100, s30;
	[sflag:s18] =	ssyncadd.s32 $0xFFFFC180  }
0x8d: {  	[tilespmem:s21], [sflag:$0x1] =	stream.indirect.gather [hbm4b:s4+s20], $0x80, s0, s20, $0xb8;
	[tilespmem:$0x1E080] =	vst v63  }
0x8e: {  	_ =	swait.ge [sflag:s24], $0x3E80  }
.Ltmp1:
0x8f: {  	[sflag:s24] =	ssyncset.done $0x0;
	(pc) =	sbr.rel @p3 .LBB2_4-.Ltmp1, $4  }
0x90: {  	s0 =	sadd.s32 $0x1480, s30;
	[sflag:s24] =	ssyncadd.s32 $0xFFFFC180  }
0x91: {  	[spmem:s1] =	stream.indirect.scatter.add.f32 [tilespmem:s22], [sflag:$0x3], $0x80, s0, s20, $0xb8;
	[tilespmem:$0x1E080] =	vst v63  }
0x92: {  	_ =	swait.ge [sflag:s18], $0x3E80  }
0x93: {  	s31 =	smov.u32 s5;
	s30 =	sshra.s32 s2, $0x2;
	[sflag:s18] =	ssyncset.done $0x0  }
0x94: {  	s0 =	sadd.s32 $0x80, s30;
	[sflag:s18] =	ssyncadd.s32 $0xFFFFC180  }
0x95: {  	[tilespmem:s22], [sflag:$0x2] =	stream.indirect.gather [hbm4b:s4+s20], $0x80, s0, s20, $0xb8;
	[tilespmem:$0x1E080] =	vst v63  }
0x96: {  	_ =	swait.ge [sflag:s23], $0x3E80  }
0x97: {  	[sflag:s23] =	ssyncset.done $0x0  }
0x98: {  	s2 =	sadd.s32 $0x1400, s30;
	[sflag:s23] =	ssyncadd.s32 $0xFFFFC180  }
0x99: {  	[spmem:s1] =	stream.indirect.scatter.add.f32 [tilespmem:s21], [sflag:$0x3], $0x80, s2, s20, $0xb8;
	[tilespmem:$0x1E080] =	vst v63  }
0x9a: {  	_ =	swait.ge [sflag:s18], $0x3E80  }
0x9b: {  	[sflag:s18] =	ssyncset.done $0x0  }
0x9c: {  	s5 =	sadd.s32 $0x100, s30;
	[sflag:s18] =	ssyncadd.s32 $0xFFFFC180  }
0x9d: {  	[tilespmem:s21], [sflag:$0x1] =	stream.indirect.gather [hbm4b:s4+s20], $0x80, s5, s20, $0xb8;
	[tilespmem:$0x1E080] =	vst v63  }
0x9e: {  	_ =	swait.ge [sflag:s24], $0x3E80  }
0x9f: {  	[sflag:s24] =	ssyncset.done $0x0  }
0xa0: {  	s31 =	sadd.s32 $0x1480, s30;
	[sflag:s24] =	ssyncadd.s32 $0xFFFFC180  }
0xa1: {  	[spmem:s1] =	stream.indirect.scatter.add.f32 [tilespmem:s22], [sflag:$0x3], $0x80, s31, s20, $0xb8;
	[tilespmem:$0x1E080] =	vst v63  }
0xa2: {  	_ =	swait.ge [sflag:s18], $0x3E80  }
0xa3: {  	[sflag:s18] =	ssyncset.done $0x0  }
0xa4: {  	[sflag:s18] =	ssyncadd.s32 $0xFFFFC180  }
0xa5: {  	[tilespmem:s22], [sflag:$0x2] =	stream.indirect.gather [hbm4b:s4+s20], $0x80, s25, s20, $0xb8;
	[tilespmem:$0x1E080] =	vst v63  }
0xa6: {  	_ =	swait.ge [sflag:s23], $0x3E80  }
0xa7: {  	[sflag:s23] =	ssyncset.done $0x0  }
0xa8: {  	[sflag:s23] =	ssyncadd.s32 $0xFFFFC180  }
0xa9: {  	[spmem:s1] =	stream.indirect.scatter.add.f32 [tilespmem:s21], [sflag:$0x3], $0x80, s26, s20, $0xb8;
	[tilespmem:$0x1E080] =	vst v63  }
0xaa: {  	_ =	swait.ge [sflag:s18], $0x3E80  }
0xab: {  	[sflag:s18] =	ssyncset.done $0x0  }
0xac: {  	[sflag:s18] =	ssyncadd.s32 $0xFFFFC180  }
0xad: {  	_ =	swait.ge [sflag:s24], $0x3E80  }
0xae: {  	[sflag:s24] =	ssyncset.done $0x0  }
0xaf: {  	[sflag:s24] =	ssyncadd.s32 $0xFFFFC180  }
0xb0: {  	[spmem:s1] =	stream.indirect.scatter.add.f32 [tilespmem:s22], [sflag:$0x3], $0x80, s28, s20, $0xb8;
	[tilespmem:$0x1E080] =	vst v63  }
0xb1: {  	_ =	swait.ge [sflag:s18], $0x3E80  }
0xb2: {  	s29 =	sadd.s32 $0x1, s29;
	s0 =	stileid.u32;
	[sflag:s18] =	ssyncset.done $0x0  }
0xb3: {  	p3 =	sne.s32 s29, s13;
	s0 =	sshll.u32 @!p2 s0, $0x6;
	[sflag:s18] =	ssyncadd.s32 $0xFFFFC180  }
0xb4: {  	s0 =	sor.u32 @!p2 $0x1C03, s0;
	s2 =	sshrl.u32 @!p2 s6, $0x3;
	[bflag:$0x0] =	sbarrier.arrive $0xFFFF  }
0xb5: {  	[hbm:s12], [sflag:s0] =	dma.local @!p2 [spmem:s2], $0x3E80  }
.Ltmp2:
0xb6: {  	_ = 	snop;
	(pc) =	sbr.rel @p3 .LBB2_1-.Ltmp2, $4  }
0xb7: {  	s0 =	simm.s32 @!p2 $0x3  }
0xb8: {  	_ =	swait.ge @!p2 [sflag:s0], $0x3E80  }
0xb9: {  	[sflag:s0] =	ssyncset.done @!p2 $0x0  }
0xba: {  	[sflag:s0] =	ssyncadd.s32 @!p2 $0xFFFFC180  }
0xbb: {  	_ =	sfence.sel $0x180000  }
0xbc: {  	[bflag:$0x0] =	sbarrier.arrive $0xFFFF  }
0xbd: {  	_ =	strace $0x9000004D  }
0xbe: {  	s0 =	stileid.u32;
	[bflag:$0x2] =	sbarrier.arrive $0xFFFF  }
0xbf: {  	p0 =	sne.s32 s0, $0x0;
	s0 =	rddreg [dreg:$0x2]  }
0xc0: {  	s0 =	sadd.s32 @!p0 $0x100000, s0  }
0xc1: {  	[sflag:s0] =	ssyncadd.tile.s32 @!p0 $0x1;
	_ =	shalt  }
.Lfunc_end2:
_tile_overlayer_lowered:
.L_overlay_start_2:
0xc2: {  	(tag) =	ssettag $0x2  }
0xc3: {  	s0 =	rddreg [dreg:$0x0];
	s2 =	stileid.u32  }
0xc4: {  	s1 =	rddreg [dreg:$0x1];
	p0 =	sne.s32 s2, $0x0  }
0xc5: {  	s3 =	rddreg [dreg:$0x2];
	[bflag:$0x3] =	sbarrier.arrive $0xFFFF;
	s2 =	simm.s32 @!p0 $0x1C03  }
0xc6: {  	[timem:s3], [sflag:s2] =	dma.local @!p0 [hbm:s0], s1  }
0xc7: {  	s0 =	simm.s32 @!p0 $0x3  }
0xc8: {  	_ =	swait.ge @!p0 [sflag:s0], s1  }
0xc9: {  	s1 =	ssub.s32 @!p0 $0x0, s1;
	[sflag:s0] =	ssyncset.done @!p0 $0x0  }
0xca: {  	[sflag:s0] =	ssyncadd.s32 @!p0 s1  }
0xcb: {  	[bflag:$0x3] =	sbarrier.arrive $0xFFFF  }
0xcc: {  	_ =	shalt  }

// kernel: kernel.8.cloned.1.call-start
scs
__scs_entry_jumppad:
0x0: {  	(pc) =	sbr.rel $0x88, $3  }
0x1: {  	(tag) =	ssettag $0x0;
	lr =	simm.s32 $0x1  }
0x2: {  	[smem:$0x3F96] =	sst lr;
	_ =	strace $0xD0000000  }
0x3: {  	_ = 	snop  }
0x4: {  	_ = 	snop  }
0x5: {  	_ = 	snop  }
0x6: {  	_ = 	snop  }
0x7: {  	_ = 	snop  }
__scs_overlays_trampoline_lowered:
0x8: {  	[smem:$0x3FA5] =	sst s0  }
0x9: {  	[smem:$0x3FA6] =	sst s1  }
0xa: {  	[smem:$0x3FA7] =	sst s2  }
0xb: {  	[smem:$0x3FA8] =	sst s3  }
0xc: {  	[smem:$0x3FA9] =	sst s4  }
0xd: {  	[smem:$0x3FAA] =	sst s5  }
0xe: {  	[smem:$0x3FAB] =	sst s6  }
0xf: {  	[smem:$0x3FAC] =	sst s7  }
0x10: {  	[smem:$0x3FAD] =	sst s8  }
0x11: {  	[smem:$0x3FAE] =	sst s9;
	s0 =	simm.s32 @!p0 $0x0  }
0x12: {  	s1 =	sld [smem:$0x3F94];
	s0 =	simm.s32 @p0 $0x1  }
0x13: {  	[smem:$0x3FAF] =	sst s0;
	s0 =	simm.s32 @!p1 $0x0  }
0x14: {  	s2 =	sld [smem:$0x3F93];
	s0 =	simm.s32 @p1 $0x1  }
0x15: {  	[smem:$0x3FB0] =	sst s0;
	s0 =	simm.s32 @!p2 $0x0  }
0x16: {  	s3 =	sld [smem:$0x3FDB];
	s0 =	simm.s32 @p2 $0x1  }
0x17: {  	s4 =	simm.s32 $0x1BF5;
	[smem:$0x3FB2] =	sst s0  }
0x18: {  	s0 =	sld [smem:$0x3F95];
	_ =	swait.ge [sflag:s4], $0x0  }
0x19: {  	s7 =	sld [smem:$0x3F96]  }
0x1a: {  	s8 =	sadd.s32 $0xFFFFE003, lr  }
0x1b: {  	s9 =	sadd.s32 $0xFFFFFEF7, lr;
	s5 =	simm.s32 $0xFFFFFFFF;
	p2 =	slt.u32 s8, $0xFFFFF086  }
0x1c: {  	p1 =	slt.u32 s9, $0xF7A;
	s5 =	simm.s32 @!p2 $0x0  }
0x1d: {  	s5 =	simm.s32 @p1 $0x1;
	p0 =	seq.s32 s7, s2  }
0x1e: {  	s7 =	smul.u32 @!p0 $0xF7A, s2;
	p2 =	seq.s32 @!p0 s5, $0x0  }
0x1f: {  	s9 =	smul.u32 $0xF7A, s1;
	s8 =	simm.s32 @!p0 $0x1BF5;
	p2 =	por !p2, p0  }
0x20: {  	[sflag:s8] =	ssyncset.s32 @!p0 $0xFFFFF086;
	s6 =	sadd.s32 @!p0 s3, s7;
	s7 =	simm.s32 @!p0 $0x108  }
0x21: {  	s3 =	sadd.s32 s3, s9;
	s6 =	sadd.s32 @!p0 $0x88, s6;
	s7 =	simm.s32 @p2 $0x1082  }
0x22: {  	[simem:s7], [sflag:s8] =	dma.local @!p0 [hbm:s6], $0xF7A  }
0x23: {  	s9 =	sor.u32 $0xD0000000, s2;
	s6 =	simm.s32 $0x108;
	_ =	swait.ge @!p0 [sflag:s8], $0x0  }
0x24: {  	s3 =	sadd.s32 $0x88, s3;
	s6 =	simm.s32 @!p1 $0x1082;
	[sflag:s4] =	ssyncset.s32 $0xFFFFF086  }
0x25: {  	[simem:s6], [sflag:s4] =	dma.local [hbm:s3], $0xF7A  }
0x26: {  	[smem:$0x3F96] =	sst s1;
	(tag) =	ssettag s2;
	_ =	strace s9  }
0x27: {  	s1 =	sld [smem:$0x3FA6]  }
0x28: {  	s2 =	sld [smem:$0x3FA7]  }
0x29: {  	s4 =	sld [smem:$0x3FA9]  }
0x2a: {  	p0 =	seq.s32 s5, $0x0;
	s5 =	sld [smem:$0x3FAA]  }
0x2b: {  	s6 =	sld [smem:$0x3FAB]  }
0x2c: {  	s7 =	sld [smem:$0x3FAC]  }
0x2d: {  	s3 =	simm.s32 $0x108;
	s8 =	sld [smem:$0x3FAD]  }
0x2e: {  	s3 =	simm.s32 @!p0 $0x1082;
	s9 =	sld [smem:$0x3FAE]  }
0x2f: {  	lr =	sadd.s32 s0, s3;
	s0 =	sld [smem:$0x3FA5]  }
0x30: {  	s3 =	sld [smem:$0x3FA8]  }
0x31: {  	[smem:$0x3FB1] =	sst s10  }
0x32: {  	s10 =	sld [smem:$0x3FAF];
	_ =	sdelay $0x3  }
0x33: {  	p0 =	seq.s32 s10, $0x1;
	s10 =	sld [smem:$0x3FB1];
	_ =	sdelay $0x3  }
0x34: {  	[smem:$0x3FB1] =	sst s10  }
0x35: {  	s10 =	sld [smem:$0x3FB0];
	_ =	sdelay $0x3  }
0x36: {  	p1 =	seq.s32 s10, $0x1;
	s10 =	sld [smem:$0x3FB1];
	_ =	sdelay $0x3  }
0x37: {  	[smem:$0x3FB1] =	sst s10  }
0x38: {  	s10 =	sld [smem:$0x3FB2]  }
0x39: {  	_ = 	snop;
	(pc) =	sbr.ind lr, $3  }
0x3a: {  	_ = 	snop  }
0x3b: {  	_ = 	snop  }
0x3c: {  	p2 =	seq.s32 s10, $0x1;
	s10 =	sld [smem:$0x3FB1]  }
0x3d: {  	_ =	shalt  }
0x3e: {  	_ =	shalt  }
0x3f: {  	_ =	shalt  }
0x40: {  	_ =	shalt  }
0x41: {  	_ =	shalt  }
0x42: {  	_ =	shalt  }
0x43: {  	_ =	shalt  }
0x44: {  	_ =	shalt  }
0x45: {  	_ =	shalt  }
0x46: {  	_ =	shalt  }
0x47: {  	_ =	shalt  }
0x48: {  	_ =	shalt  }
0x49: {  	_ =	shalt  }
0x4a: {  	_ =	shalt  }
0x4b: {  	_ =	shalt  }
0x4c: {  	_ =	shalt  }
0x4d: {  	_ =	shalt  }
0x4e: {  	_ =	shalt  }
0x4f: {  	_ =	shalt  }
0x50: {  	_ =	shalt  }
0x51: {  	_ =	shalt  }
0x52: {  	_ =	shalt  }
0x53: {  	_ =	shalt  }
0x54: {  	_ =	shalt  }
0x55: {  	_ =	shalt  }
0x56: {  	_ =	shalt  }
0x57: {  	_ =	shalt  }
0x58: {  	_ =	shalt  }
0x59: {  	_ =	shalt  }
0x5a: {  	_ =	shalt  }
0x5b: {  	_ =	shalt  }
0x5c: {  	_ =	shalt  }
0x5d: {  	_ =	shalt  }
0x5e: {  	_ =	shalt  }
0x5f: {  	_ =	shalt  }
0x60: {  	_ =	shalt  }
0x61: {  	_ =	shalt  }
0x62: {  	_ =	shalt  }
0x63: {  	_ =	shalt  }
0x64: {  	_ =	shalt  }
0x65: {  	_ =	shalt  }
0x66: {  	_ =	shalt  }
0x67: {  	_ =	shalt  }
0x68: {  	_ =	shalt  }
0x69: {  	_ =	shalt  }
0x6a: {  	_ =	shalt  }
0x6b: {  	_ =	shalt  }
0x6c: {  	_ =	shalt  }
0x6d: {  	_ =	shalt  }
0x6e: {  	_ =	shalt  }
0x6f: {  	_ =	shalt  }
0x70: {  	_ =	shalt  }
0x71: {  	_ =	shalt  }
0x72: {  	_ =	shalt  }
0x73: {  	_ =	shalt  }
0x74: {  	_ =	shalt  }
0x75: {  	_ =	shalt  }
0x76: {  	_ =	shalt  }
0x77: {  	_ =	shalt  }
0x78: {  	_ =	shalt  }
0x79: {  	_ =	shalt  }
0x7a: {  	_ =	shalt  }
0x7b: {  	_ =	shalt  }
0x7c: {  	_ =	shalt  }
0x7d: {  	_ =	shalt  }
0x7e: {  	_ =	shalt  }
0x7f: {  	_ =	shalt  }
0x80: {  	_ =	shalt  }
0x81: {  	_ =	shalt  }
0x82: {  	_ =	shalt  }
0x83: {  	_ =	shalt  }
0x84: {  	_ =	shalt  }
0x85: {  	_ =	shalt  }
0x86: {  	_ =	shalt  }
0x87: {  	_ =	shalt  }
.Lfunc_end0:
.L_simem_size_0:
called_computation_lowered:
.L_overlay_start_0:
0x88: {  	s2 =	sld [smem:$0x3FD9]  }
0x89: {  	s3 =	sld [smem:$0x3FFE];
	_ =	sdelay $0x1  }
0x8a: {  	s1 =	srdreg.scid  }
0x8b: {  	s0 =	sand.u32 $0x1, s1  }
0x8c: {  	s17 =	sshll.u32 s0, $0xA;
	s2 =	sadd.s32 s3, s2  }
0x8d: {  	s2 =	sadd.s32 s2, s17  }
0x8e: {  	[smem:$0x3FBD] =	sst s2  }
0x8f: {  	_ = 	snop  }
0x90: {  	s2 =	sld [smem:$0x3FD0];
	(tm) =	ssettm $0x1  }
0x91: {  	s18 =	sld [smem:$0x3FFB];
	_ =	sdelay $0x3  }
0x92: {  	_ =	strace s18  }
0x93: {  	s3 =	sld [smem:$0x3FFC];
	_ =	sdelay $0x3  }
0x94: {  	_ =	strace s3  }
0x95: {  	s3 =	sld [smem:$0x3FFD];
	_ =	sdelay $0x3  }
0x96: {  	_ =	strace s3  }
0x97: {  	_ =	strace $0x8FFFFFFF  }
0x98: {  	s19 =	sld [smem:$0x3FDB];
	_ =	sdelay $0x1  }
0x99: {  	s4 =	simm.s32 $_scs_section_size  }
0x9a: {  	s5 =	simm.s32 $_size__tile_overlayer_lowered;
	s6 =	simm.s32 $_tile_overlayer_lowered  }
0x9b: {  	s22 =	simm.s32 $0x1BFF;
	s21 =	sshll.u32 s6, $0x1;
	s3 =	sadd.s32 s4, s19  }
0x9c: {  	s7 =	simm.s32 $0x0;
	s20 =	sshll.u32 s5, $0x1;
	s5 =	sadd.s32 s21, s3  }
0x9d: {  	[timem:s7], [sflag:s22] =	dma.local [hbm:s5], s20  }
0x9e: {  	_ =	swait.ge [sflag:s22], s20  }
0x9f: {  	s4 =	ssub.s32 $0x0, s20;
	[sflag:s22] =	ssyncset.done $0x0  }
0xa0: {  	[sflag:s22] =	ssyncadd.s32 s4;
	_ =	sdelay $0x1  }
0xa1: {  	s23 =	simm.s32 $0x1B8B  }
0xa2: {  	_ =	swait.ge [sflag:s23], $0x1  }
0xa3: {  	[sflag:s23] =	ssyncset.done $0x0  }
0xa4: {  	s25 =	simm.s32 $0x1B8E;
	s24 =	sld [smem:$0x3FFE];
	[sflag:s23] =	ssyncadd.s32 $0xFFFFFFFF  }
0xa5: {  	s26 =	simm.s32 $execute0_lowered;
	[smem:$0x3FD2] =	sst s25  }
0xa6: {  	s5 =	sshll.u32 s26, $0x1;
	_ =	strace $0x80000046;
	[dreg:$0x1] =	wrdreg $0xFFFFFFFF  }
0xa7: {  	s28 =	simm.s32 $_size_execute0_lowered;
	s3 =	sadd.s32 s3, s5;
	[dreg:$0x0] =	wrdreg $0x0  }
0xa8: {  	s5 =	sshll.u32 s28, $0x1;
	[dreg:$0x2] =	wrdreg s3  }
0xa9: {  	[dreg:$0x3] =	wrdreg s5  }
0xaa: {  	[dreg:$0x4] =	wrdreg $0xC0  }
0xab: {  	_ =	task [dreg:s7], $0x5FFFF  }
0xac: {  	[dreg:$0x1] =	wrdreg $0xFFFFFFFF  }
0xad: {  	[dreg:$0x0] =	wrdreg $0x60  }
0xae: {  	[dreg:$0x2] =	wrdreg s24  }
0xaf: {  	[dreg:$0x3] =	wrdreg s2  }
0xb0: {  	[dreg:$0x4] =	wrdreg $0x54800  }
0xb1: {  	[dreg:$0x5] =	wrdreg $0x9  }
0xb2: {  	_ =	task.clear_ibuf [dreg:s7], $0x6FFFF;
	_ =	strace $0x90000046  }
0xb3: {  	s29 =	simm.s32 $0x9;
	_ =	strace $0x80000048  }
0xb4: {  	_ =	swait.ge [sflag:s29], $0x1  }
0xb5: {  	[sflag:s29] =	ssyncadd.s32 $0xFFFFFFFF  }
0xb6: {  	_ =	strace $0x90000048  }
0xb7: {  	_ =	sfence  }
0xb8: {  	s30 =	sld [smem:$0x0];
	_ =	sdelay $0x2  }
0xb9: {  	s31 =	sshll.u32 s1, $0xD;
	s1 =	sshrl.u32 s1, $0x2  }
0xba: {  	s3 =	sand.u32 $0x4000, s31;
	s1 =	sadd.s32 s1, s30  }
0xbb: {  	s0 =	sor.u32 s3, s0;
	s1 =	sshll.u32 s1, $0x11  }
0xbc: {  	s0 =	sor.u32 s1, s0  }
0xbd: {  	s0 =	sadd.s32 $0x8F2B, s0  }
0xbe: {  	[sflag:s0] =	ssyncadd.remote.s32 $0x1  }
0xbf: {  	_ =	sfence.sel $0xFFFF  }
0xc0: {  	[dreg:$0x0] =	wrdreg $0xFFFFFFFF;
	(pc) =	sbr.abs _section_cstart, $3  }
0xc1: {  	[dreg:$0x1] =	wrdreg $0xFFFFFFFF  }
0xc2: {  	_ =	task.clear_ibuf [dreg:s7], $0x2FFFF;
	_ =	strace $0x9FFFFFFF  }
0xc3: {  	(tm) =	ssettm $0x7FFFFFFF  }
tec
execute0_lowered:
.L_overlay_start_1:
0x0: {  	(tag) =	ssettag $0x1  }
0x1: {  	s5 =	rddreg [dreg:$0x0]  }
0x2: {  	s0 =	srdreg.scid;
	s1 =	rddreg [dreg:$0x1]  }
0x3: {  	s2 =	rddreg [dreg:$0x2];
	s8 =	stileid.u32;
	s3 =	simm.s32 $0x0  }
0x4: {  	s11 =	simm.s32 $0x5400;
	s12 =	simm.s32 $0x51;
	s4 =	sand.u32 $0x1, s0  }
0x5: {  	s13 =	simm.s32 $0x0;
	s0 =	rddreg [dreg:$0x3];
	s6 =	sshll.u32 s4, $0x4  }
0x6: {  	[smem:$0x7FF] =	sst s3;
	s7 =	smul.u32 $0x580, s4;
	s6 =	sor.u32 s8, s6  }
0x7: {  	p0 =	sne.s32 s8, $0x0;
	s9 =	ssub.s32 $0x2, s4;
	s6 =	smul.u32 $0x500, s6  }
0x8: {  	_ =	strace $0x80000047;
	s4 =	sadd.s32 $0xCA00, s5;
	s10 =	sshrl.u32 s9, $0x1  }
0x9: {  	s8 =	simm.s32 $0x2800;
	s7 =	sadd.s32 s7, s5;
	s6 =	sadd.s32 s6, s5  }
0xa: {  	s9 =	ssub.s32 s9, s10;
	s10 =	sshrl.u32 @!p0 s2, $0x3;
	s5 =	sadd.s32 $0x2A00, s6  }
0xb: {  	v0 =	vimm.f32 $1.000000000e+00;
	s6 =	sadd.s32 $0xD000, s7;
	s7 =	smax.u32 s9, $0x1;
	s9 =	simm.s32 $0x1  }
.LBB2_1:
0xc: {  	[tilespmem:s8], [sflag:$0x1] =	stream.linear.gather [hbm4b:s4+s3], $0x2880, $0x38;
	[tilespmem:$0x5708] =	vst v63  }
0xd: {  	_ =	swait.ge [sflag:s9], $0x2880  }
0xe: {  	[sflag:s9] =	ssyncset.done $0x0  }
0xf: {  	s14 =	simm.s32 @!p0 $0x1C01;
	[sflag:s9] =	ssyncadd.s32 $0xFFFFD780  }
0x10: {  	[spmem:s10], [sflag:s14] =	dma.local @!p0 [hbm:s4], $0x510  }
0x11: {  	s14 =	simm.s32 @!p0 $0x1  }
0x12: {  	_ =	swait.ge @!p0 [sflag:s14], $0x510  }
0x13: {  	[sflag:s14] =	ssyncset.done @!p0 $0x0  }
0x14: {  	[sflag:s14] =	ssyncadd.s32 @!p0 $0xFFFFFAF0  }
0x15: {  	[tilespmem:s11], [sflag:$0x1] =	stream.linear.gather [hbm4b:s1+s3], $0x80, $0x38;
	[tilespmem:$0x5708] =	vst v63  }
0x16: {  	_ =	swait.ge [sflag:s9], $0x80  }
0x17: {  	[sflag:s9] =	ssyncset.done $0x0  }
0x18: {  	[sflag:s9] =	ssyncadd.s32 $0xFFFFFF80  }
0x19: {  	[tilespmem:s3], [sflag:$0x1] =	stream.linear.gather [hbm4b:s5+s3], $0x2780, $0x38;
	[tilespmem:$0x5708] =	vst v63  }
0x1a: {  	_ =	swait.ge [sflag:s9], $0x2780  }
0x1b: {  	[sflag:s9] =	ssyncset.done $0x0  }
0x1c: {  	s14 =	simm.s32 $0x0;
	[sflag:s9] =	ssyncadd.s32 $0xFFFFD880  }
.LBB2_2:
0x1d: {  	s15 =	sshra.s32 s14, $0x2  }
0x1e: {  	v1 =	vld [tilespmem:s15+$0x0];
	_ =	sdelay $0x7  }
0x1f: {  	[tilespmem:v1+s8+$0x0] =	vst.idx.add.f32.msk $0xffff, v0  }
0x20: {  	v1 =	vld [tilespmem:s15+$0x10];
	_ =	sdelay $0x7  }
0x21: {  	[tilespmem:v1+s8+$0x0] =	vst.idx.add.f32.msk $0xffff, v0  }
0x22: {  	v1 =	vld [tilespmem:s15+$0x20];
	_ =	sdelay $0x7  }
0x23: {  	[tilespmem:v1+s8+$0x0] =	vst.idx.add.f32.msk $0xffff, v0  }
0x24: {  	v1 =	vld [tilespmem:s15+$0x30];
	_ =	sdelay $0x7  }
0x25: {  	[tilespmem:v1+s8+$0x0] =	vst.idx.add.f32.msk $0xffff, v0  }
0x26: {  	v1 =	vld [tilespmem:s15+$0x40];
	_ =	sdelay $0x7  }
0x27: {  	[tilespmem:v1+s8+$0x0] =	vst.idx.add.f32.msk $0xffff, v0  }
0x28: {  	v1 =	vld [tilespmem:s15+$0x50];
	_ =	sdelay $0x7  }
0x29: {  	[tilespmem:v1+s8+$0x0] =	vst.idx.add.f32.msk $0xffff, v0  }
0x2a: {  	v1 =	vld [tilespmem:s15+$0x60];
	_ =	sdelay $0x7  }
0x2b: {  	[tilespmem:v1+s8+$0x0] =	vst.idx.add.f32.msk $0xffff, v0  }
0x2c: {  	v1 =	vld [tilespmem:s15+$0x70];
	_ =	sdelay $0x2  }
0x2d: {  	p1 =	sne.s32 s14, $0x9C00  }
.Ltmp0:
0x2e: {  	_ = 	snop;
	(pc) =	sbr.rel @p1 .LBB2_2-.Ltmp0, $2  }
0x2f: {  	_ =	sdelay $0x2  }
0x30: {  	s14 =	sadd.s32 $0x200, s14;
	[tilespmem:v1+s8+$0x0] =	vst.idx.add.f32.msk $0xffff, v0  }
0x31: {  	[bflag:$0x0] =	sbarrier.arrive $0xFFFF  }
0x32: {  	[spmem:s2] =	stream.indirect.scatter.add.f32 [tilespmem:s8], [sflag:$0x1], $0x80, s11, s12, $0xb8;
	[tilespmem:$0x5708] =	vst v63  }
0x33: {  	_ =	swait.ge [sflag:s9], $0x2880  }
0x34: {  	[sflag:s9] =	ssyncset.done $0x0  }
0x35: {  	s13 =	sadd.s32 $0x1, s13;
	[sflag:s9] =	ssyncadd.s32 $0xFFFFD780  }
0x36: {  	s14 =	simm.s32 @!p0 $0x1C01;
	p1 =	sne.s32 s13, s7;
	[bflag:$0x0] =	sbarrier.arrive $0xFFFF  }
0x37: {  	[hbm:s6], [sflag:s14] =	dma.local @!p0 [spmem:s10], $0x510  }
.Ltmp1:
0x38: {  	_ = 	snop;
	(pc) =	sbr.rel @p1 .LBB2_1-.Ltmp1, $4  }
0x39: {  	s14 =	simm.s32 @!p0 $0x1  }
0x3a: {  	_ =	swait.ge @!p0 [sflag:s14], $0x510  }
0x3b: {  	[sflag:s14] =	ssyncset.done @!p0 $0x0  }
0x3c: {  	[sflag:s14] =	ssyncadd.s32 @!p0 $0xFFFFFAF0  }
0x3d: {  	_ =	sfence.sel $0x180000  }
0x3e: {  	[bflag:$0x0] =	sbarrier.arrive $0xFFFF  }
0x3f: {  	_ =	strace $0x90000047  }
0x40: {  	s0 =	sadd.s32 @!p0 $0x100000, s0;
	[bflag:$0x2] =	sbarrier.arrive $0xFFFF  }
0x41: {  	[sflag:s0] =	ssyncadd.tile.s32 @!p0 $0x1;
	_ =	shalt  }
.Lfunc_end2:
_tile_overlayer_lowered:
.L_overlay_start_2:
0x42: {  	(tag) =	ssettag $0x2  }
0x43: {  	s0 =	rddreg [dreg:$0x0];
	s2 =	stileid.u32  }
0x44: {  	s1 =	rddreg [dreg:$0x1];
	p0 =	sne.s32 s2, $0x0  }
0x45: {  	s3 =	rddreg [dreg:$0x2];
	[bflag:$0x3] =	sbarrier.arrive $0xFFFF;
	s2 =	simm.s32 @!p0 $0x1C01  }
0x46: {  	[timem:s3], [sflag:s2] =	dma.local @!p0 [hbm:s0], s1  }
0x47: {  	s0 =	simm.s32 @!p0 $0x1  }
0x48: {  	_ =	swait.ge @!p0 [sflag:s0], s1  }
0x49: {  	s1 =	ssub.s32 @!p0 $0x0, s1;
	[sflag:s0] =	ssyncset.done @!p0 $0x0  }
0x4a: {  	[sflag:s0] =	ssyncadd.s32 @!p0 s1  }
0x4b: {  	[bflag:$0x3] =	sbarrier.arrive $0xFFFF  }
0x4c: {  	_ =	shalt  }

</sc_bundles>
